<compile_context>
chip_gen: v7x
topology: tpu7x:2x2x1
jax: 0.10.2.dev20260603
libtpu: 0.0.44.dev20260713+nightly
codegen_flags: <defaults>
</compile_context>

<pallas_src>
import functools

import jax
import jax.numpy as jnp
from jax import lax
from jax.experimental import pallas as pl
from jax.experimental.pallas import tpu as pltpu
from jax.experimental.pallas import tpu_sc as plsc

E = 8
D = 1024
DF = 1024
T = 4096

BLK = 256
NBLK = 2 * T // BLK + E
NSLOT = NBLK * BLK

NW = 32
TPW = T // NW
CH = 64
NCH = TPW // CH

BTC = 256
H = D // 2


def _pack2(v):
    u = jax.lax.bitcast_convert_type(v, jnp.uint32)
    u = (u + jnp.uint32(0x8000)) >> 16
    a = u[:, :H]
    b = u[:, H:]
    return jax.lax.bitcast_convert_type((b << 16) | a, jnp.int32)


def _unpack2(p):
    u = jax.lax.bitcast_convert_type(p, jnp.uint32)
    lo = jax.lax.bitcast_convert_type(u << 16, jnp.float32)
    hi = jax.lax.bitcast_convert_type(u & jnp.uint32(0xFFFF0000), jnp.float32)
    return lo, hi



def _route_kernel(x_ref, wg_ref, pos0_ref, pos1_ref, g0_ref, g1_ref, be_ref,
                  xpk_ref):
    xb = x_ref[...]
    xpk_ref[...] = _pack2(xb)
    logits = jnp.dot(xb, wg_ref[...].T, preferred_element_type=jnp.float32)
    z = logits - jnp.max(logits, axis=-1, keepdims=True)
    ez = jnp.exp(z)
    sc = ez / jnp.sum(ez, axis=-1, keepdims=True)

    lane = lax.broadcasted_iota(jnp.int32, sc.shape, 1)
    m1 = jnp.max(sc, axis=-1, keepdims=True)
    i1 = jnp.min(jnp.where(sc == m1, lane, E), axis=-1, keepdims=True)
    s2 = jnp.where(lane == i1, -jnp.inf, sc)
    m2 = jnp.max(s2, axis=-1, keepdims=True)
    i2 = jnp.min(jnp.where(s2 == m2, lane, E), axis=-1, keepdims=True)

    C1 = (lane == i1).astype(jnp.float32)
    C2 = (lane == i2).astype(jnp.float32)

    R = 512
    G = T // R
    ri = lax.broadcasted_iota(jnp.int32, (R, R), 0)
    ci = lax.broadcasted_iota(jnp.int32, (R, R), 1)
    trilx = (ci < ri).astype(jnp.float32)
    ones_row = jnp.ones((1, R), jnp.float32)

    p1, p2, s1, s2l = [], [], [], []
    for g in range(G):
        cg1 = C1[g * R:(g + 1) * R, :]
        cg2 = C2[g * R:(g + 1) * R, :]
        p1.append(jnp.dot(trilx, cg1, preferred_element_type=jnp.float32))
        p2.append(jnp.dot(trilx, cg2, preferred_element_type=jnp.float32))
        s1.append(jnp.dot(ones_row, cg1, preferred_element_type=jnp.float32))
        s2l.append(jnp.dot(ones_row, cg2, preferred_element_type=jnp.float32))
    S1 = jnp.concatenate(s1, axis=0)
    S2 = jnp.concatenate(s2l, axis=0)
    gr = lax.broadcasted_iota(jnp.int32, (G, G), 0)
    gc = lax.broadcasted_iota(jnp.int32, (G, G), 1)
    trilg = (gc < gr).astype(jnp.float32)
    O1 = jnp.dot(trilg, S1, preferred_element_type=jnp.float32)
    O2 = jnp.dot(trilg, S2, preferred_element_type=jnp.float32)
    prefix1 = jnp.concatenate([p1[g] + O1[g:g + 1, :] for g in range(G)], 0)
    prefix2 = jnp.concatenate([p2[g] + O2[g:g + 1, :] for g in range(G)], 0)
    tot1 = jnp.sum(S1, axis=0, keepdims=True)
    tot2 = jnp.sum(S2, axis=0, keepdims=True)

    counts = tot1 + tot2
    nb = jnp.ceil(counts / BLK)
    er = lax.broadcasted_iota(jnp.int32, (E, E), 0)
    ec = lax.broadcasted_iota(jnp.int32, (E, E), 1)
    upx = (er < ec).astype(jnp.float32)
    slot_base = BLK * jnp.dot(nb, upx, preferred_element_type=jnp.float32)

    rank1 = jnp.sum(prefix1 * C1, axis=1, keepdims=True)
    base1 = jnp.sum(slot_base * C1, axis=1, keepdims=True)
    rank2 = jnp.sum((tot1 + prefix2) * C2, axis=1, keepdims=True)
    base2 = jnp.sum(slot_base * C2, axis=1, keepdims=True)
    pos0_ref[...] = (base1 + rank1).astype(jnp.int32)
    pos1_ref[...] = (base2 + rank2).astype(jnp.int32)
    g0_ref[...] = m1
    g1_ref[...] = m2

    cum_incl = jnp.sum((ec <= er).astype(jnp.float32) * nb, axis=1,
                       keepdims=True).astype(jnp.int32)
    bi = lax.broadcasted_iota(jnp.int32, (E, NBLK), 1)
    be = jnp.sum((bi >= cum_incl).astype(jnp.int32), axis=0, keepdims=True)
    be_ref[...] = be


def _route(x, Wg):
    full = lambda shape: pl.BlockSpec(shape, lambda: (0,) * len(shape))
    return pl.pallas_call(
        _route_kernel,
        in_specs=[full((T, D)), full((E, D))],
        out_specs=[full((T, 1)), full((T, 1)), full((T, 1)), full((T, 1)),
                   full((1, NBLK)), full((T, H))],
        out_shape=[
            jax.ShapeDtypeStruct((T, 1), jnp.int32),
            jax.ShapeDtypeStruct((T, 1), jnp.int32),
            jax.ShapeDtypeStruct((T, 1), jnp.float32),
            jax.ShapeDtypeStruct((T, 1), jnp.float32),
            jax.ShapeDtypeStruct((1, NBLK), jnp.int32),
            jax.ShapeDtypeStruct((T, H), jnp.int32),
        ],
    )(x, Wg)



@functools.cache
def _sc_mesh():
    return plsc.VectorSubcoreMesh(core_axis_name="c", subcore_axis_name="s")


@functools.cache
def _sc_dispatch_kernel():
    @functools.partial(
        pl.kernel,
        out_type=jax.ShapeDtypeStruct((NSLOT, H), jnp.int32),
        mesh=_sc_mesh(),
        scratch_types=[
            pltpu.VMEM((NCH, CH), jnp.int32),
            pltpu.VMEM((NCH, CH), jnp.int32),
            pltpu.VMEM((TPW, H), jnp.int32),
            pltpu.SemaphoreType.DMA,
        ],
    )
    def body(x_hbm, pos0_hbm, pos1_hbm, xg_hbm, idx0_v, idx1_v, xbuf_v, sem):
        wid = lax.axis_index("s") * 2 + lax.axis_index("c")
        base = wid * TPW
        pltpu.sync_copy(pos0_hbm.at[wid], idx0_v)
        pltpu.sync_copy(pos1_hbm.at[wid], idx1_v)
        pltpu.sync_copy(x_hbm.at[pl.ds(base, TPW)], xbuf_v)
        cps = []
        for j in range(NCH):
            rows = xbuf_v.at[pl.ds(j * CH, CH)]
            cps.append(pltpu.async_copy(rows, xg_hbm.at[idx0_v.at[j]], sem))
            cps.append(pltpu.async_copy(rows, xg_hbm.at[idx1_v.at[j]], sem))
        for cp in cps:
            cp.wait()

    return body


def _sc_dispatch(x, pos0w, pos1w):
    return _sc_dispatch_kernel()(x, pos0w, pos1w)



def _ffn_kernel(be_ref, xg_ref, w1_ref, w2_ref, w3_ref, out_ref):
    @pl.when(be_ref[pl.program_id(0)] < E)
    def _():
        lo, hi = _unpack2(xg_ref[...])
        lo = lo.astype(jnp.bfloat16)
        hi = hi.astype(jnp.bfloat16)
        w1 = w1_ref[0].astype(jnp.bfloat16)
        w3 = w3_ref[0].astype(jnp.bfloat16)
        w2 = w2_ref[0].astype(jnp.bfloat16)
        h1 = (jnp.dot(lo, w1[:, :H].T, preferred_element_type=jnp.float32)
              + jnp.dot(hi, w1[:, H:].T, preferred_element_type=jnp.float32))
        h3 = (jnp.dot(lo, w3[:, :H].T, preferred_element_type=jnp.float32)
              + jnp.dot(hi, w3[:, H:].T, preferred_element_type=jnp.float32))
        h = (jax.nn.silu(h1) * h3).astype(jnp.bfloat16)
        ye = jnp.dot(h, w2.T, preferred_element_type=jnp.float32)
        out_ref[...] = _pack2(ye)


def _ffn(be, xg, W1, W2, W3):
    wix = lambda b, be: (jnp.minimum(be[b], E - 1), 0, 0)
    grid_spec = pltpu.PrefetchScalarGridSpec(
        num_scalar_prefetch=1,
        grid=(NBLK,),
        in_specs=[
            pl.BlockSpec((BLK, H), lambda b, be: (b, 0)),
            pl.BlockSpec((1, DF, D), wix),
            pl.BlockSpec((1, D, DF), wix),
            pl.BlockSpec((1, DF, D), wix),
        ],
        out_specs=pl.BlockSpec((BLK, H), lambda b, be: (b, 0)),
    )
    return pl.pallas_call(
        _ffn_kernel,
        grid_spec=grid_spec,
        out_shape=jax.ShapeDtypeStruct((NSLOT, H), jnp.int32),
        compiler_params=pltpu.CompilerParams(
            dimension_semantics=("arbitrary",),
        ),
    )(be, xg, W1, W2, W3)



@functools.cache
def _sc_gather_kernel():
    @functools.partial(
        pl.kernel,
        out_type=[jax.ShapeDtypeStruct((T, H), jnp.int32),
                  jax.ShapeDtypeStruct((T, H), jnp.int32)],
        mesh=_sc_mesh(),
        scratch_types=[
            pltpu.VMEM((NCH, CH), jnp.int32),
            pltpu.VMEM((NCH, CH), jnp.int32),
            pltpu.VMEM((CH, H), jnp.int32),
            pltpu.VMEM((CH, H), jnp.int32),
            pltpu.SemaphoreType.DMA,
            pltpu.SemaphoreType.DMA,
        ],
    )
    def body(ys_hbm, pos0_hbm, pos1_hbm, y0_hbm, y1_hbm, idx0_v, idx1_v,
             b0_v, b1_v, s0, s1):
        wid = lax.axis_index("s") * 2 + lax.axis_index("c")
        base = wid * TPW
        pltpu.sync_copy(pos0_hbm.at[wid], idx0_v)
        pltpu.sync_copy(pos1_hbm.at[wid], idx1_v)
        a = pltpu.async_copy(ys_hbm.at[idx0_v.at[0]], b0_v, s0)
        b = pltpu.async_copy(ys_hbm.at[idx1_v.at[0]], b1_v, s1)
        for j in range(NCH):
            a.wait()
            b.wait()
            pltpu.sync_copy(b0_v, y0_hbm.at[pl.ds(base + j * CH, CH)])
            pltpu.sync_copy(b1_v, y1_hbm.at[pl.ds(base + j * CH, CH)])
            if j + 1 < NCH:
                a = pltpu.async_copy(ys_hbm.at[idx0_v.at[j + 1]], b0_v, s0)
                b = pltpu.async_copy(ys_hbm.at[idx1_v.at[j + 1]], b1_v, s1)

    return body


def _sc_gather(ys, pos0w, pos1w):
    return _sc_gather_kernel()(ys, pos0w, pos1w)



def _shared_kernel(x_ref, ws1_ref, ws2_ref, ws3_ref, sh_ref):
    lo, hi = _unpack2(x_ref[...])
    lo = lo.astype(jnp.bfloat16)
    hi = hi.astype(jnp.bfloat16)
    ws1 = ws1_ref[...].astype(jnp.bfloat16)
    ws3 = ws3_ref[...].astype(jnp.bfloat16)
    ws2 = ws2_ref[...].astype(jnp.bfloat16)
    h1 = (jnp.dot(lo, ws1[:, :H].T, preferred_element_type=jnp.float32)
          + jnp.dot(hi, ws1[:, H:].T, preferred_element_type=jnp.float32))
    h3 = (jnp.dot(lo, ws3[:, :H].T, preferred_element_type=jnp.float32)
          + jnp.dot(hi, ws3[:, H:].T, preferred_element_type=jnp.float32))
    h = (jax.nn.silu(h1) * h3).astype(jnp.bfloat16)
    sh_ref[...] = _pack2(jnp.dot(h, ws2.T, preferred_element_type=jnp.float32))


def _shared(x, Ws1, Ws2, Ws3):
    pkrow = lambda: pl.BlockSpec((BTC, H), lambda t: (t, 0))
    full = lambda shape: pl.BlockSpec(shape, lambda t: (0,) * len(shape))
    return pl.pallas_call(
        _shared_kernel,
        grid=(T // BTC,),
        in_specs=[pkrow(), full((DF, D)), full((D, DF)), full((DF, D))],
        out_specs=pkrow(),
        out_shape=jax.ShapeDtypeStruct((T, H), jnp.int32),
    )(x, Ws1, Ws2, Ws3)



def _combine_kernel(sh_ref, y0_ref, y1_ref, g0_ref, g1_ref, out_ref):
    g0 = g0_ref[...]
    g1 = g1_ref[...]
    shlo, shhi = _unpack2(sh_ref[...])
    y0lo, y0hi = _unpack2(y0_ref[...])
    y1lo, y1hi = _unpack2(y1_ref[...])
    out_ref[:, :H] = g0 * y0lo + g1 * y1lo + shlo
    out_ref[:, H:] = g0 * y0hi + g1 * y1hi + shhi


def _combine(sh, y0, y1, g0, g1):
    row = lambda: pl.BlockSpec((BTC, D), lambda t: (t, 0))
    pkrow = lambda: pl.BlockSpec((BTC, H), lambda t: (t, 0))
    col = lambda: pl.BlockSpec((BTC, 1), lambda t: (t, 0))
    return pl.pallas_call(
        _combine_kernel,
        grid=(T // BTC,),
        in_specs=[pkrow(), pkrow(), pkrow(), col(), col()],
        out_specs=row(),
        out_shape=jax.ShapeDtypeStruct((T, D), jnp.float32),
    )(sh, y0, y1, g0, g1)



def kernel(x, Wg, W1, W2, W3, Ws1, Ws2, Ws3):
    pos0, pos1, g0, g1, be, xpk = _route(x, Wg)
    pos0w = pos0.reshape(NW, NCH, CH)
    pos1w = pos1.reshape(NW, NCH, CH)
    xg = _sc_dispatch(xpk, pos0w, pos1w)
    ys = _ffn(be.reshape(NBLK), xg, W1, W2, W3)
    sh = _shared(xpk, Ws1, Ws2, Ws3)
    y0, y1 = _sc_gather(ys, pos0w, pos1w)
    return _combine(sh, y0, y1, g0, g1)

# --- scband reference (transcript-rebuilt; emitter-appended) ---
"""Pipeline reference for scband-block-28329604284812 (READ-ONLY COPY).

The authoritative reference and input builder live on the scoring server;
editing this copy changes nothing except your own understanding.
"""

import jax, jax.numpy as jnp
import numpy as np

E = 8       # num routed experts
TOPK = 2    # experts per token
D = 1024    # d_model
DF = 1024   # moe inter dim
T = 4096    # tokens = batch 2 * seq 2048


def setup_inputs(seed: int = 0) -> dict:
    key = jax.random.key(seed)
    ks = jax.random.split(key, 8)
    s = 0.02
    return {
        "x": jax.random.normal(ks[0], (T, D), dtype=jnp.float32),
        "Wg": jax.random.normal(ks[1], (E, D), dtype=jnp.float32) * s,
        "W1": jax.random.normal(ks[2], (E, DF, D), dtype=jnp.float32) * s,
        "W2": jax.random.normal(ks[3], (E, D, DF), dtype=jnp.float32) * s,
        "W3": jax.random.normal(ks[4], (E, DF, D), dtype=jnp.float32) * s,
        "Ws1": jax.random.normal(ks[5], (DF, D), dtype=jnp.float32) * s,
        "Ws2": jax.random.normal(ks[6], (D, DF), dtype=jnp.float32) * s,
        "Ws3": jax.random.normal(ks[7], (DF, D), dtype=jnp.float32) * s,
    }


def reference(x, Wg, W1, W2, W3, Ws1, Ws2, Ws3):
    # Gate: linear -> softmax score -> top-k routing (score_func='softmax',
    # bias=None since dim != 7168, n_expert_groups=1 so group masking is identity,
    # get_weight identity for softmax, route_scale=1.0)
    logits = x @ Wg.T
    scores = jax.nn.softmax(logits.astype(jnp.float32), axis=-1)
    topw, topi = jax.lax.top_k(scores, TOPK)                      # [T,K]
    # combine gate weights per expert (scatter of top-k weights into dense [T,E])
    gates = jnp.sum(topw[..., None] * jax.nn.one_hot(topi, E, dtype=scores.dtype), axis=1)
    gates = gates.astype(x.dtype)                                 # [T,E]

    # Routed experts: SwiGLU MLP per expert: w2(silu(w1 x) * w3 x)
    h = jax.nn.silu(jnp.einsum('td,efd->tef', x, W1)) * jnp.einsum('td,efd->tef', x, W3)
    ye = jnp.einsum('tef,edf->ted', h, W2)                        # [T,E,D]
    y = jnp.einsum('te,ted->td', gates, ye)                       # [T,D]

    # Shared expert MLP (always active)
    shared = (jax.nn.silu(x @ Ws1.T) * (x @ Ws3.T)) @ Ws2.T
    return y + shared

if __name__ == "__main__":
    import jax
    _d = setup_inputs()
    print(jax.jit(kernel)(*tuple(_d.values())))

</pallas_src>

<mosaic_0001>
#map = affine_map<(d0, d1) -> (0, 0)>
#map1 = affine_map<(d0, d1) -> (0, 0, 0)>
module attributes {stable_mosaic.version = 14 : i64} {
  func.func @body(%arg0: i32, %arg1: i32, %arg2: memref<10240x512xi32, #tpu.memory_space<hbm>>, %arg3: memref<32x2x64xi32, #tpu.memory_space<hbm>>, %arg4: memref<32x2x64xi32, #tpu.memory_space<hbm>>, %arg5: memref<4096x512xi32, #tpu.memory_space<hbm>>, %arg6: memref<4096x512xi32, #tpu.memory_space<hbm>>, %arg7: memref<2x64xi32, #tpu.memory_space<vmem>>, %arg8: memref<2x64xi32, #tpu.memory_space<vmem>>, %arg9: memref<64x512xi32, #tpu.memory_space<vmem>>, %arg10: memref<64x512xi32, #tpu.memory_space<vmem>>, %arg11: memref<!tpu.dma_semaphore, #tpu.memory_space<semaphore_mem>>, %arg12: memref<!tpu.dma_semaphore, #tpu.memory_space<semaphore_mem>>) attributes {dimension_semantics = [#tpu.dimension_semantics<core_parallel>, #tpu.dimension_semantics<subcore_parallel>], iteration_bounds = array<i64: 2, 16>, scalar_prefetch = 0 : i64, scratch_operands = 6 : i64, tpu.core_type = #tpu.core_type<sc_vector_subcore>, window_params = [{transform_indices = #map}, {transform_indices = #map1}, {transform_indices = #map1}, {transform_indices = #map}, {transform_indices = #map}]} {
    %mul3A = arith.constant 2 : i32
    %mul3A_0 = arith.muli %arg1, %mul3A : i32
    %add3A = arith.addi %mul3A_0, %arg0 : i32
    %mul3A_1 = arith.constant 128 : i32
    %mul3A_2 = arith.muli %add3A, %mul3A_1 : i32
    "tpu.region"() ({
      %run_scoped3A = tpu.sem_alloc : memref<!tpu.dma_semaphore, #tpu.memory_space<semaphore_mem>>
      %dma_start3A_65 = arith.constant 0 : i32
      %dma_start3A_66 = arith.constant 0 : i32
      %dma_start3A_67 = tpu.memref_slice %arg3[%add3A, %dma_start3A_65, %dma_start3A_66] : memref<32x2x64xi32, #tpu.memory_space<hbm>> -> memref<1x2x64xi32, #tpu.memory_space<hbm>>
      %dma_start3A_68 = tpu.memref_squeeze %dma_start3A_67 : memref<1x2x64xi32, #tpu.memory_space<hbm>> -> memref<2x64xi32, #tpu.memory_space<hbm>>
      %dma_start3A_69 = arith.constant 0 : i32
      %dma_start3A_70 = arith.constant 0 : i32
      %dma_start3A_71 = tpu.memref_slice %arg3[%add3A, %dma_start3A_69, %dma_start3A_70] : memref<32x2x64xi32, #tpu.memory_space<hbm>> -> memref<1x2x64xi32, #tpu.memory_space<hbm>>
      %dma_start3A_72 = tpu.memref_squeeze %dma_start3A_71 : memref<1x2x64xi32, #tpu.memory_space<hbm>> -> memref<2x64xi32, #tpu.memory_space<hbm>>
      tpu.enqueue_dma source(%dma_start3A_72 : memref<2x64xi32, #tpu.memory_space<hbm>>) target(%arg7 : memref<2x64xi32, #tpu.memory_space<vmem>>) target_semaphore(%run_scoped3A : memref<!tpu.dma_semaphore, #tpu.memory_space<semaphore_mem>>)
      %dma_wait3A_73 = arith.constant 0 : i32
      %dma_wait3A_74 = arith.constant 0 : i32
      %dma_wait3A_75 = tpu.memref_slice %arg3[%add3A, %dma_wait3A_73, %dma_wait3A_74] : memref<32x2x64xi32, #tpu.memory_space<hbm>> -> memref<1x2x64xi32, #tpu.memory_space<hbm>>
      %dma_wait3A_76 = tpu.memref_squeeze %dma_wait3A_75 : memref<1x2x64xi32, #tpu.memory_space<hbm>> -> memref<2x64xi32, #tpu.memory_space<hbm>>
      %dma_wait3A_77 = arith.constant 0 : i32
      %dma_wait3A_78 = arith.constant 0 : i32
      %dma_wait3A_79 = tpu.memref_slice %arg3[%add3A, %dma_wait3A_77, %dma_wait3A_78] : memref<32x2x64xi32, #tpu.memory_space<hbm>> -> memref<1x2x64xi32, #tpu.memory_space<hbm>>
      %dma_wait3A_80 = tpu.memref_squeeze %dma_wait3A_79 : memref<1x2x64xi32, #tpu.memory_space<hbm>> -> memref<2x64xi32, #tpu.memory_space<hbm>>
      tpu.wait_dma2 semaphore(%run_scoped3A : memref<!tpu.dma_semaphore, #tpu.memory_space<semaphore_mem>>) src(%dma_wait3A_80 : memref<2x64xi32, #tpu.memory_space<hbm>>) dst(%arg7 : memref<2x64xi32, #tpu.memory_space<vmem>>)
      tpu.yield
    }) : () -> ()
    "tpu.region"() ({
      %run_scoped3A = tpu.sem_alloc : memref<!tpu.dma_semaphore, #tpu.memory_space<semaphore_mem>>
      %dma_start3A_65 = arith.constant 0 : i32
      %dma_start3A_66 = arith.constant 0 : i32
      %dma_start3A_67 = tpu.memref_slice %arg4[%add3A, %dma_start3A_65, %dma_start3A_66] : memref<32x2x64xi32, #tpu.memory_space<hbm>> -> memref<1x2x64xi32, #tpu.memory_space<hbm>>
      %dma_start3A_68 = tpu.memref_squeeze %dma_start3A_67 : memref<1x2x64xi32, #tpu.memory_space<hbm>> -> memref<2x64xi32, #tpu.memory_space<hbm>>
      %dma_start3A_69 = arith.constant 0 : i32
      %dma_start3A_70 = arith.constant 0 : i32
      %dma_start3A_71 = tpu.memref_slice %arg4[%add3A, %dma_start3A_69, %dma_start3A_70] : memref<32x2x64xi32, #tpu.memory_space<hbm>> -> memref<1x2x64xi32, #tpu.memory_space<hbm>>
      %dma_start3A_72 = tpu.memref_squeeze %dma_start3A_71 : memref<1x2x64xi32, #tpu.memory_space<hbm>> -> memref<2x64xi32, #tpu.memory_space<hbm>>
      tpu.enqueue_dma source(%dma_start3A_72 : memref<2x64xi32, #tpu.memory_space<hbm>>) target(%arg8 : memref<2x64xi32, #tpu.memory_space<vmem>>) target_semaphore(%run_scoped3A : memref<!tpu.dma_semaphore, #tpu.memory_space<semaphore_mem>>)
      %dma_wait3A_73 = arith.constant 0 : i32
      %dma_wait3A_74 = arith.constant 0 : i32
      %dma_wait3A_75 = tpu.memref_slice %arg4[%add3A, %dma_wait3A_73, %dma_wait3A_74] : memref<32x2x64xi32, #tpu.memory_space<hbm>> -> memref<1x2x64xi32, #tpu.memory_space<hbm>>
      %dma_wait3A_76 = tpu.memref_squeeze %dma_wait3A_75 : memref<1x2x64xi32, #tpu.memory_space<hbm>> -> memref<2x64xi32, #tpu.memory_space<hbm>>
      %dma_wait3A_77 = arith.constant 0 : i32
      %dma_wait3A_78 = arith.constant 0 : i32
      %dma_wait3A_79 = tpu.memref_slice %arg4[%add3A, %dma_wait3A_77, %dma_wait3A_78] : memref<32x2x64xi32, #tpu.memory_space<hbm>> -> memref<1x2x64xi32, #tpu.memory_space<hbm>>
      %dma_wait3A_80 = tpu.memref_squeeze %dma_wait3A_79 : memref<1x2x64xi32, #tpu.memory_space<hbm>> -> memref<2x64xi32, #tpu.memory_space<hbm>>
      tpu.wait_dma2 semaphore(%run_scoped3A : memref<!tpu.dma_semaphore, #tpu.memory_space<semaphore_mem>>) src(%dma_wait3A_80 : memref<2x64xi32, #tpu.memory_space<hbm>>) dst(%arg8 : memref<2x64xi32, #tpu.memory_space<vmem>>)
      tpu.yield
    }) : () -> ()
    %dma_start3A = arith.constant 0 : i32
    %dma_start3A_3 = arith.constant 0 : i32
    %dma_start3A_4 = tpu.memref_slice %arg7[%dma_start3A, %dma_start3A_3] : memref<2x64xi32, #tpu.memory_space<vmem>> -> memref<1x64xi32, #tpu.memory_space<vmem>>
    %dma_start3A_5 = tpu.memref_squeeze %dma_start3A_4 : memref<1x64xi32, #tpu.memory_space<vmem>> -> memref<64xi32, #tpu.memory_space<vmem>>
    %dma_start3A_6 = arith.constant 0 : i32
    %dma_start3A_7 = arith.constant 0 : i32
    %dma_start3A_8 = tpu.memref_slice %arg2[%dma_start3A_6, %dma_start3A_7] : memref<10240x512xi32, #tpu.memory_space<hbm>> -> memref<10240x512xi32, #tpu.memory_space<hbm>>
    tpu.enqueue_indirect_dma source(%dma_start3A_8 : memref<10240x512xi32, #tpu.memory_space<hbm>>) target(%arg9 : memref<64x512xi32, #tpu.memory_space<vmem>>) offsets(%dma_start3A_5 : memref<64xi32, #tpu.memory_space<vmem>>) semaphore(%arg11 : memref<!tpu.dma_semaphore, #tpu.memory_space<semaphore_mem>>)
    %dma_start3A_9 = arith.constant 0 : i32
    %dma_start3A_10 = arith.constant 0 : i32
    %dma_start3A_11 = tpu.memref_slice %arg8[%dma_start3A_9, %dma_start3A_10] : memref<2x64xi32, #tpu.memory_space<vmem>> -> memref<1x64xi32, #tpu.memory_space<vmem>>
    %dma_start3A_12 = tpu.memref_squeeze %dma_start3A_11 : memref<1x64xi32, #tpu.memory_space<vmem>> -> memref<64xi32, #tpu.memory_space<vmem>>
    %dma_start3A_13 = arith.constant 0 : i32
    %dma_start3A_14 = arith.constant 0 : i32
    %dma_start3A_15 = tpu.memref_slice %arg2[%dma_start3A_13, %dma_start3A_14] : memref<10240x512xi32, #tpu.memory_space<hbm>> -> memref<10240x512xi32, #tpu.memory_space<hbm>>
    tpu.enqueue_indirect_dma source(%dma_start3A_15 : memref<10240x512xi32, #tpu.memory_space<hbm>>) target(%arg10 : memref<64x512xi32, #tpu.memory_space<vmem>>) offsets(%dma_start3A_12 : memref<64xi32, #tpu.memory_space<vmem>>) semaphore(%arg12 : memref<!tpu.dma_semaphore, #tpu.memory_space<semaphore_mem>>)
    %dma_wait3A = arith.constant 0 : i32
    %dma_wait3A_16 = arith.constant 0 : i32
    %dma_wait3A_17 = tpu.memref_slice %arg7[%dma_wait3A, %dma_wait3A_16] : memref<2x64xi32, #tpu.memory_space<vmem>> -> memref<1x64xi32, #tpu.memory_space<vmem>>
    %dma_wait3A_18 = tpu.memref_squeeze %dma_wait3A_17 : memref<1x64xi32, #tpu.memory_space<vmem>> -> memref<64xi32, #tpu.memory_space<vmem>>
    %dma_wait3A_19 = arith.constant 0 : i32
    %dma_wait3A_20 = arith.constant 0 : i32
    %dma_wait3A_21 = tpu.memref_slice %arg2[%dma_wait3A_19, %dma_wait3A_20] : memref<10240x512xi32, #tpu.memory_space<hbm>> -> memref<10240x512xi32, #tpu.memory_space<hbm>>
    tpu.wait_indirect_dma semaphore(%arg11 : memref<!tpu.dma_semaphore, #tpu.memory_space<semaphore_mem>>) src(%dma_wait3A_21 : memref<10240x512xi32, #tpu.memory_space<hbm>>) dst(%arg9 : memref<64x512xi32, #tpu.memory_space<vmem>>)
    %dma_wait3A_22 = arith.constant 0 : i32
    %dma_wait3A_23 = arith.constant 0 : i32
    %dma_wait3A_24 = tpu.memref_slice %arg8[%dma_wait3A_22, %dma_wait3A_23] : memref<2x64xi32, #tpu.memory_space<vmem>> -> memref<1x64xi32, #tpu.memory_space<vmem>>
    %dma_wait3A_25 = tpu.memref_squeeze %dma_wait3A_24 : memref<1x64xi32, #tpu.memory_space<vmem>> -> memref<64xi32, #tpu.memory_space<vmem>>
    %dma_wait3A_26 = arith.constant 0 : i32
    %dma_wait3A_27 = arith.constant 0 : i32
    %dma_wait3A_28 = tpu.memref_slice %arg2[%dma_wait3A_26, %dma_wait3A_27] : memref<10240x512xi32, #tpu.memory_space<hbm>> -> memref<10240x512xi32, #tpu.memory_space<hbm>>
    tpu.wait_indirect_dma semaphore(%arg12 : memref<!tpu.dma_semaphore, #tpu.memory_space<semaphore_mem>>) src(%dma_wait3A_28 : memref<10240x512xi32, #tpu.memory_space<hbm>>) dst(%arg10 : memref<64x512xi32, #tpu.memory_space<vmem>>)
    %add3A_29 = arith.constant 0 : i32
    %add3A_30 = arith.addi %mul3A_2, %add3A_29 : i32
    "tpu.region"() ({
      %run_scoped3A = tpu.sem_alloc : memref<!tpu.dma_semaphore, #tpu.memory_space<semaphore_mem>>
      %dma_start3A_65 = arith.constant 0 : i32
      %dma_start3A_66 = tpu.memref_slice %arg5[%add3A_30, %dma_start3A_65] : memref<4096x512xi32, #tpu.memory_space<hbm>> -> memref<64x512xi32, #tpu.memory_space<hbm>>
      %dma_start3A_67 = arith.constant 0 : i32
      %dma_start3A_68 = tpu.memref_slice %arg5[%add3A_30, %dma_start3A_67] : memref<4096x512xi32, #tpu.memory_space<hbm>> -> memref<64x512xi32, #tpu.memory_space<hbm>>
      tpu.enqueue_dma source(%arg9 : memref<64x512xi32, #tpu.memory_space<vmem>>) target(%dma_start3A_68 : memref<64x512xi32, #tpu.memory_space<hbm>>) target_semaphore(%run_scoped3A : memref<!tpu.dma_semaphore, #tpu.memory_space<semaphore_mem>>)
      %dma_wait3A_69 = arith.constant 0 : i32
      %dma_wait3A_70 = tpu.memref_slice %arg5[%add3A_30, %dma_wait3A_69] : memref<4096x512xi32, #tpu.memory_space<hbm>> -> memref<64x512xi32, #tpu.memory_space<hbm>>
      %dma_wait3A_71 = arith.constant 0 : i32
      %dma_wait3A_72 = tpu.memref_slice %arg5[%add3A_30, %dma_wait3A_71] : memref<4096x512xi32, #tpu.memory_space<hbm>> -> memref<64x512xi32, #tpu.memory_space<hbm>>
      tpu.wait_dma2 semaphore(%run_scoped3A : memref<!tpu.dma_semaphore, #tpu.memory_space<semaphore_mem>>) src(%arg9 : memref<64x512xi32, #tpu.memory_space<vmem>>) dst(%dma_wait3A_72 : memref<64x512xi32, #tpu.memory_space<hbm>>)
      tpu.yield
    }) : () -> ()
    %add3A_31 = arith.constant 0 : i32
    %add3A_32 = arith.addi %mul3A_2, %add3A_31 : i32
    "tpu.region"() ({
      %run_scoped3A = tpu.sem_alloc : memref<!tpu.dma_semaphore, #tpu.memory_space<semaphore_mem>>
      %dma_start3A_65 = arith.constant 0 : i32
      %dma_start3A_66 = tpu.memref_slice %arg6[%add3A_32, %dma_start3A_65] : memref<4096x512xi32, #tpu.memory_space<hbm>> -> memref<64x512xi32, #tpu.memory_space<hbm>>
      %dma_start3A_67 = arith.constant 0 : i32
      %dma_start3A_68 = tpu.memref_slice %arg6[%add3A_32, %dma_start3A_67] : memref<4096x512xi32, #tpu.memory_space<hbm>> -> memref<64x512xi32, #tpu.memory_space<hbm>>
      tpu.enqueue_dma source(%arg10 : memref<64x512xi32, #tpu.memory_space<vmem>>) target(%dma_start3A_68 : memref<64x512xi32, #tpu.memory_space<hbm>>) target_semaphore(%run_scoped3A : memref<!tpu.dma_semaphore, #tpu.memory_space<semaphore_mem>>)
      %dma_wait3A_69 = arith.constant 0 : i32
      %dma_wait3A_70 = tpu.memref_slice %arg6[%add3A_32, %dma_wait3A_69] : memref<4096x512xi32, #tpu.memory_space<hbm>> -> memref<64x512xi32, #tpu.memory_space<hbm>>
      %dma_wait3A_71 = arith.constant 0 : i32
      %dma_wait3A_72 = tpu.memref_slice %arg6[%add3A_32, %dma_wait3A_71] : memref<4096x512xi32, #tpu.memory_space<hbm>> -> memref<64x512xi32, #tpu.memory_space<hbm>>
      tpu.wait_dma2 semaphore(%run_scoped3A : memref<!tpu.dma_semaphore, #tpu.memory_space<semaphore_mem>>) src(%arg10 : memref<64x512xi32, #tpu.memory_space<vmem>>) dst(%dma_wait3A_72 : memref<64x512xi32, #tpu.memory_space<hbm>>)
      tpu.yield
    }) : () -> ()
    %dma_start3A_33 = arith.constant 1 : i32
    %dma_start3A_34 = arith.constant 0 : i32
    %dma_start3A_35 = tpu.memref_slice %arg7[%dma_start3A_33, %dma_start3A_34] : memref<2x64xi32, #tpu.memory_space<vmem>> -> memref<1x64xi32, #tpu.memory_space<vmem>>
    %dma_start3A_36 = tpu.memref_squeeze %dma_start3A_35 : memref<1x64xi32, #tpu.memory_space<vmem>> -> memref<64xi32, #tpu.memory_space<vmem>>
    %dma_start3A_37 = arith.constant 0 : i32
    %dma_start3A_38 = arith.constant 0 : i32
    %dma_start3A_39 = tpu.memref_slice %arg2[%dma_start3A_37, %dma_start3A_38] : memref<10240x512xi32, #tpu.memory_space<hbm>> -> memref<10240x512xi32, #tpu.memory_space<hbm>>
    tpu.enqueue_indirect_dma source(%dma_start3A_39 : memref<10240x512xi32, #tpu.memory_space<hbm>>) target(%arg9 : memref<64x512xi32, #tpu.memory_space<vmem>>) offsets(%dma_start3A_36 : memref<64xi32, #tpu.memory_space<vmem>>) semaphore(%arg11 : memref<!tpu.dma_semaphore, #tpu.memory_space<semaphore_mem>>)
    %dma_start3A_40 = arith.constant 1 : i32
    %dma_start3A_41 = arith.constant 0 : i32
    %dma_start3A_42 = tpu.memref_slice %arg8[%dma_start3A_40, %dma_start3A_41] : memref<2x64xi32, #tpu.memory_space<vmem>> -> memref<1x64xi32, #tpu.memory_space<vmem>>
    %dma_start3A_43 = tpu.memref_squeeze %dma_start3A_42 : memref<1x64xi32, #tpu.memory_space<vmem>> -> memref<64xi32, #tpu.memory_space<vmem>>
    %dma_start3A_44 = arith.constant 0 : i32
    %dma_start3A_45 = arith.constant 0 : i32
    %dma_start3A_46 = tpu.memref_slice %arg2[%dma_start3A_44, %dma_start3A_45] : memref<10240x512xi32, #tpu.memory_space<hbm>> -> memref<10240x512xi32, #tpu.memory_space<hbm>>
    tpu.enqueue_indirect_dma source(%dma_start3A_46 : memref<10240x512xi32, #tpu.memory_space<hbm>>) target(%arg10 : memref<64x512xi32, #tpu.memory_space<vmem>>) offsets(%dma_start3A_43 : memref<64xi32, #tpu.memory_space<vmem>>) semaphore(%arg12 : memref<!tpu.dma_semaphore, #tpu.memory_space<semaphore_mem>>)
    %dma_wait3A_47 = arith.constant 1 : i32
    %dma_wait3A_48 = arith.constant 0 : i32
    %dma_wait3A_49 = tpu.memref_slice %arg7[%dma_wait3A_47, %dma_wait3A_48] : memref<2x64xi32, #tpu.memory_space<vmem>> -> memref<1x64xi32, #tpu.memory_space<vmem>>
    %dma_wait3A_50 = tpu.memref_squeeze %dma_wait3A_49 : memref<1x64xi32, #tpu.memory_space<vmem>> -> memref<64xi32, #tpu.memory_space<vmem>>
    %dma_wait3A_51 = arith.constant 0 : i32
    %dma_wait3A_52 = arith.constant 0 : i32
    %dma_wait3A_53 = tpu.memref_slice %arg2[%dma_wait3A_51, %dma_wait3A_52] : memref<10240x512xi32, #tpu.memory_space<hbm>> -> memref<10240x512xi32, #tpu.memory_space<hbm>>
    tpu.wait_indirect_dma semaphore(%arg11 : memref<!tpu.dma_semaphore, #tpu.memory_space<semaphore_mem>>) src(%dma_wait3A_53 : memref<10240x512xi32, #tpu.memory_space<hbm>>) dst(%arg9 : memref<64x512xi32, #tpu.memory_space<vmem>>)
    %dma_wait3A_54 = arith.constant 1 : i32
    %dma_wait3A_55 = arith.constant 0 : i32
    %dma_wait3A_56 = tpu.memref_slice %arg8[%dma_wait3A_54, %dma_wait3A_55] : memref<2x64xi32, #tpu.memory_space<vmem>> -> memref<1x64xi32, #tpu.memory_space<vmem>>
    %dma_wait3A_57 = tpu.memref_squeeze %dma_wait3A_56 : memref<1x64xi32, #tpu.memory_space<vmem>> -> memref<64xi32, #tpu.memory_space<vmem>>
    %dma_wait3A_58 = arith.constant 0 : i32
    %dma_wait3A_59 = arith.constant 0 : i32
    %dma_wait3A_60 = tpu.memref_slice %arg2[%dma_wait3A_58, %dma_wait3A_59] : memref<10240x512xi32, #tpu.memory_space<hbm>> -> memref<10240x512xi32, #tpu.memory_space<hbm>>
    tpu.wait_indirect_dma semaphore(%arg12 : memref<!tpu.dma_semaphore, #tpu.memory_space<semaphore_mem>>) src(%dma_wait3A_60 : memref<10240x512xi32, #tpu.memory_space<hbm>>) dst(%arg10 : memref<64x512xi32, #tpu.memory_space<vmem>>)
    %add3A_61 = arith.constant 64 : i32
    %add3A_62 = arith.addi %mul3A_2, %add3A_61 : i32
    "tpu.region"() ({
      %run_scoped3A = tpu.sem_alloc : memref<!tpu.dma_semaphore, #tpu.memory_space<semaphore_mem>>
      %dma_start3A_65 = arith.constant 0 : i32
      %dma_start3A_66 = tpu.memref_slice %arg5[%add3A_62, %dma_start3A_65] : memref<4096x512xi32, #tpu.memory_space<hbm>> -> memref<64x512xi32, #tpu.memory_space<hbm>>
      %dma_start3A_67 = arith.constant 0 : i32
      %dma_start3A_68 = tpu.memref_slice %arg5[%add3A_62, %dma_start3A_67] : memref<4096x512xi32, #tpu.memory_space<hbm>> -> memref<64x512xi32, #tpu.memory_space<hbm>>
      tpu.enqueue_dma source(%arg9 : memref<64x512xi32, #tpu.memory_space<vmem>>) target(%dma_start3A_68 : memref<64x512xi32, #tpu.memory_space<hbm>>) target_semaphore(%run_scoped3A : memref<!tpu.dma_semaphore, #tpu.memory_space<semaphore_mem>>)
      %dma_wait3A_69 = arith.constant 0 : i32
      %dma_wait3A_70 = tpu.memref_slice %arg5[%add3A_62, %dma_wait3A_69] : memref<4096x512xi32, #tpu.memory_space<hbm>> -> memref<64x512xi32, #tpu.memory_space<hbm>>
      %dma_wait3A_71 = arith.constant 0 : i32
      %dma_wait3A_72 = tpu.memref_slice %arg5[%add3A_62, %dma_wait3A_71] : memref<4096x512xi32, #tpu.memory_space<hbm>> -> memref<64x512xi32, #tpu.memory_space<hbm>>
      tpu.wait_dma2 semaphore(%run_scoped3A : memref<!tpu.dma_semaphore, #tpu.memory_space<semaphore_mem>>) src(%arg9 : memref<64x512xi32, #tpu.memory_space<vmem>>) dst(%dma_wait3A_72 : memref<64x512xi32, #tpu.memory_space<hbm>>)
      tpu.yield
    }) : () -> ()
    %add3A_63 = arith.constant 64 : i32
    %add3A_64 = arith.addi %mul3A_2, %add3A_63 : i32
    "tpu.region"() ({
      %run_scoped3A = tpu.sem_alloc : memref<!tpu.dma_semaphore, #tpu.memory_space<semaphore_mem>>
      %dma_start3A_65 = arith.constant 0 : i32
      %dma_start3A_66 = tpu.memref_slice %arg6[%add3A_64, %dma_start3A_65] : memref<4096x512xi32, #tpu.memory_space<hbm>> -> memref<64x512xi32, #tpu.memory_space<hbm>>
      %dma_start3A_67 = arith.constant 0 : i32
      %dma_start3A_68 = tpu.memref_slice %arg6[%add3A_64, %dma_start3A_67] : memref<4096x512xi32, #tpu.memory_space<hbm>> -> memref<64x512xi32, #tpu.memory_space<hbm>>
      tpu.enqueue_dma source(%arg10 : memref<64x512xi32, #tpu.memory_space<vmem>>) target(%dma_start3A_68 : memref<64x512xi32, #tpu.memory_space<hbm>>) target_semaphore(%run_scoped3A : memref<!tpu.dma_semaphore, #tpu.memory_space<semaphore_mem>>)
      %dma_wait3A_69 = arith.constant 0 : i32
      %dma_wait3A_70 = tpu.memref_slice %arg6[%add3A_64, %dma_wait3A_69] : memref<4096x512xi32, #tpu.memory_space<hbm>> -> memref<64x512xi32, #tpu.memory_space<hbm>>
      %dma_wait3A_71 = arith.constant 0 : i32
      %dma_wait3A_72 = tpu.memref_slice %arg6[%add3A_64, %dma_wait3A_71] : memref<4096x512xi32, #tpu.memory_space<hbm>> -> memref<64x512xi32, #tpu.memory_space<hbm>>
      tpu.wait_dma2 semaphore(%run_scoped3A : memref<!tpu.dma_semaphore, #tpu.memory_space<semaphore_mem>>) src(%arg10 : memref<64x512xi32, #tpu.memory_space<vmem>>) dst(%dma_wait3A_72 : memref<64x512xi32, #tpu.memory_space<hbm>>)
      tpu.yield
    }) : () -> ()
    return
  }
}

#map = affine_map<(d0, d1) -> (0, 0)>
#map1 = affine_map<(d0, d1) -> (0, 0, 0)>
module attributes {stable_mosaic.version = 14 : i64} {
  func.func @body(%arg0: i32, %arg1: i32, %arg2: memref<4096x512xi32, #tpu.memory_space<hbm>>, %arg3: memref<32x2x64xi32, #tpu.memory_space<hbm>>, %arg4: memref<32x2x64xi32, #tpu.memory_space<hbm>>, %arg5: memref<10240x512xi32, #tpu.memory_space<hbm>>, %arg6: memref<2x64xi32, #tpu.memory_space<vmem>>, %arg7: memref<2x64xi32, #tpu.memory_space<vmem>>, %arg8: memref<128x512xi32, #tpu.memory_space<vmem>>, %arg9: memref<!tpu.dma_semaphore, #tpu.memory_space<semaphore_mem>>) attributes {dimension_semantics = [#tpu.dimension_semantics<core_parallel>, #tpu.dimension_semantics<subcore_parallel>], iteration_bounds = array<i64: 2, 16>, scalar_prefetch = 0 : i64, scratch_operands = 4 : i64, tpu.core_type = #tpu.core_type<sc_vector_subcore>, window_params = [{transform_indices = #map}, {transform_indices = #map1}, {transform_indices = #map1}, {transform_indices = #map}]} {
    %mul3A = arith.constant 2 : i32
    %mul3A_0 = arith.muli %arg1, %mul3A : i32
    %add3A = arith.addi %mul3A_0, %arg0 : i32
    %mul3A_1 = arith.constant 128 : i32
    %mul3A_2 = arith.muli %add3A, %mul3A_1 : i32
    "tpu.region"() ({
      %run_scoped3A = tpu.sem_alloc : memref<!tpu.dma_semaphore, #tpu.memory_space<semaphore_mem>>
      %dma_start3A_81 = arith.constant 0 : i32
      %dma_start3A_82 = arith.constant 0 : i32
      %dma_start3A_83 = tpu.memref_slice %arg3[%add3A, %dma_start3A_81, %dma_start3A_82] : memref<32x2x64xi32, #tpu.memory_space<hbm>> -> memref<1x2x64xi32, #tpu.memory_space<hbm>>
      %dma_start3A_84 = tpu.memref_squeeze %dma_start3A_83 : memref<1x2x64xi32, #tpu.memory_space<hbm>> -> memref<2x64xi32, #tpu.memory_space<hbm>>
      %dma_start3A_85 = arith.constant 0 : i32
      %dma_start3A_86 = arith.constant 0 : i32
      %dma_start3A_87 = tpu.memref_slice %arg3[%add3A, %dma_start3A_85, %dma_start3A_86] : memref<32x2x64xi32, #tpu.memory_space<hbm>> -> memref<1x2x64xi32, #tpu.memory_space<hbm>>
      %dma_start3A_88 = tpu.memref_squeeze %dma_start3A_87 : memref<1x2x64xi32, #tpu.memory_space<hbm>> -> memref<2x64xi32, #tpu.memory_space<hbm>>
      tpu.enqueue_dma source(%dma_start3A_88 : memref<2x64xi32, #tpu.memory_space<hbm>>) target(%arg6 : memref<2x64xi32, #tpu.memory_space<vmem>>) target_semaphore(%run_scoped3A : memref<!tpu.dma_semaphore, #tpu.memory_space<semaphore_mem>>)
      %dma_wait3A_89 = arith.constant 0 : i32
      %dma_wait3A_90 = arith.constant 0 : i32
      %dma_wait3A_91 = tpu.memref_slice %arg3[%add3A, %dma_wait3A_89, %dma_wait3A_90] : memref<32x2x64xi32, #tpu.memory_space<hbm>> -> memref<1x2x64xi32, #tpu.memory_space<hbm>>
      %dma_wait3A_92 = tpu.memref_squeeze %dma_wait3A_91 : memref<1x2x64xi32, #tpu.memory_space<hbm>> -> memref<2x64xi32, #tpu.memory_space<hbm>>
      %dma_wait3A_93 = arith.constant 0 : i32
      %dma_wait3A_94 = arith.constant 0 : i32
      %dma_wait3A_95 = tpu.memref_slice %arg3[%add3A, %dma_wait3A_93, %dma_wait3A_94] : memref<32x2x64xi32, #tpu.memory_space<hbm>> -> memref<1x2x64xi32, #tpu.memory_space<hbm>>
      %dma_wait3A_96 = tpu.memref_squeeze %dma_wait3A_95 : memref<1x2x64xi32, #tpu.memory_space<hbm>> -> memref<2x64xi32, #tpu.memory_space<hbm>>
      tpu.wait_dma2 semaphore(%run_scoped3A : memref<!tpu.dma_semaphore, #tpu.memory_space<semaphore_mem>>) src(%dma_wait3A_96 : memref<2x64xi32, #tpu.memory_space<hbm>>) dst(%arg6 : memref<2x64xi32, #tpu.memory_space<vmem>>)
      tpu.yield
    }) : () -> ()
    "tpu.region"() ({
      %run_scoped3A = tpu.sem_alloc : memref<!tpu.dma_semaphore, #tpu.memory_space<semaphore_mem>>
      %dma_start3A_81 = arith.constant 0 : i32
      %dma_start3A_82 = arith.constant 0 : i32
      %dma_start3A_83 = tpu.memref_slice %arg4[%add3A, %dma_start3A_81, %dma_start3A_82] : memref<32x2x64xi32, #tpu.memory_space<hbm>> -> memref<1x2x64xi32, #tpu.memory_space<hbm>>
      %dma_start3A_84 = tpu.memref_squeeze %dma_start3A_83 : memref<1x2x64xi32, #tpu.memory_space<hbm>> -> memref<2x64xi32, #tpu.memory_space<hbm>>
      %dma_start3A_85 = arith.constant 0 : i32
      %dma_start3A_86 = arith.constant 0 : i32
      %dma_start3A_87 = tpu.memref_slice %arg4[%add3A, %dma_start3A_85, %dma_start3A_86] : memref<32x2x64xi32, #tpu.memory_space<hbm>> -> memref<1x2x64xi32, #tpu.memory_space<hbm>>
      %dma_start3A_88 = tpu.memref_squeeze %dma_start3A_87 : memref<1x2x64xi32, #tpu.memory_space<hbm>> -> memref<2x64xi32, #tpu.memory_space<hbm>>
      tpu.enqueue_dma source(%dma_start3A_88 : memref<2x64xi32, #tpu.memory_space<hbm>>) target(%arg7 : memref<2x64xi32, #tpu.memory_space<vmem>>) target_semaphore(%run_scoped3A : memref<!tpu.dma_semaphore, #tpu.memory_space<semaphore_mem>>)
      %dma_wait3A_89 = arith.constant 0 : i32
      %dma_wait3A_90 = arith.constant 0 : i32
      %dma_wait3A_91 = tpu.memref_slice %arg4[%add3A, %dma_wait3A_89, %dma_wait3A_90] : memref<32x2x64xi32, #tpu.memory_space<hbm>> -> memref<1x2x64xi32, #tpu.memory_space<hbm>>
      %dma_wait3A_92 = tpu.memref_squeeze %dma_wait3A_91 : memref<1x2x64xi32, #tpu.memory_space<hbm>> -> memref<2x64xi32, #tpu.memory_space<hbm>>
      %dma_wait3A_93 = arith.constant 0 : i32
      %dma_wait3A_94 = arith.constant 0 : i32
      %dma_wait3A_95 = tpu.memref_slice %arg4[%add3A, %dma_wait3A_93, %dma_wait3A_94] : memref<32x2x64xi32, #tpu.memory_space<hbm>> -> memref<1x2x64xi32, #tpu.memory_space<hbm>>
      %dma_wait3A_96 = tpu.memref_squeeze %dma_wait3A_95 : memref<1x2x64xi32, #tpu.memory_space<hbm>> -> memref<2x64xi32, #tpu.memory_space<hbm>>
      tpu.wait_dma2 semaphore(%run_scoped3A : memref<!tpu.dma_semaphore, #tpu.memory_space<semaphore_mem>>) src(%dma_wait3A_96 : memref<2x64xi32, #tpu.memory_space<hbm>>) dst(%arg7 : memref<2x64xi32, #tpu.memory_space<vmem>>)
      tpu.yield
    }) : () -> ()
    "tpu.region"() ({
      %run_scoped3A = tpu.sem_alloc : memref<!tpu.dma_semaphore, #tpu.memory_space<semaphore_mem>>
      %dma_start3A_81 = arith.constant 0 : i32
      %dma_start3A_82 = tpu.memref_slice %arg2[%mul3A_2, %dma_start3A_81] : memref<4096x512xi32, #tpu.memory_space<hbm>> -> memref<128x512xi32, #tpu.memory_space<hbm>>
      %dma_start3A_83 = arith.constant 0 : i32
      %dma_start3A_84 = tpu.memref_slice %arg2[%mul3A_2, %dma_start3A_83] : memref<4096x512xi32, #tpu.memory_space<hbm>> -> memref<128x512xi32, #tpu.memory_space<hbm>>
      tpu.enqueue_dma source(%dma_start3A_84 : memref<128x512xi32, #tpu.memory_space<hbm>>) target(%arg8 : memref<128x512xi32, #tpu.memory_space<vmem>>) target_semaphore(%run_scoped3A : memref<!tpu.dma_semaphore, #tpu.memory_space<semaphore_mem>>)
      %dma_wait3A_85 = arith.constant 0 : i32
      %dma_wait3A_86 = tpu.memref_slice %arg2[%mul3A_2, %dma_wait3A_85] : memref<4096x512xi32, #tpu.memory_space<hbm>> -> memref<128x512xi32, #tpu.memory_space<hbm>>
      %dma_wait3A_87 = arith.constant 0 : i32
      %dma_wait3A_88 = tpu.memref_slice %arg2[%mul3A_2, %dma_wait3A_87] : memref<4096x512xi32, #tpu.memory_space<hbm>> -> memref<128x512xi32, #tpu.memory_space<hbm>>
      tpu.wait_dma2 semaphore(%run_scoped3A : memref<!tpu.dma_semaphore, #tpu.memory_space<semaphore_mem>>) src(%dma_wait3A_88 : memref<128x512xi32, #tpu.memory_space<hbm>>) dst(%arg8 : memref<128x512xi32, #tpu.memory_space<vmem>>)
      tpu.yield
    }) : () -> ()
    %dma_start3A = arith.constant 0 : i32
    %dma_start3A_3 = arith.constant 0 : i32
    %dma_start3A_4 = arith.constant 0 : i32
    %dma_start3A_5 = tpu.memref_slice %arg8[%dma_start3A_3, %dma_start3A_4] : memref<128x512xi32, #tpu.memory_space<vmem>> -> memref<64x512xi32, #tpu.memory_space<vmem>>
    %dma_start3A_6 = arith.constant 0 : i32
    %dma_start3A_7 = tpu.memref_slice %arg6[%dma_start3A, %dma_start3A_6] : memref<2x64xi32, #tpu.memory_space<vmem>> -> memref<1x64xi32, #tpu.memory_space<vmem>>
    %dma_start3A_8 = tpu.memref_squeeze %dma_start3A_7 : memref<1x64xi32, #tpu.memory_space<vmem>> -> memref<64xi32, #tpu.memory_space<vmem>>
    %dma_start3A_9 = arith.constant 0 : i32
    %dma_start3A_10 = arith.constant 0 : i32
    %dma_start3A_11 = tpu.memref_slice %arg5[%dma_start3A_9, %dma_start3A_10] : memref<10240x512xi32, #tpu.memory_space<hbm>> -> memref<10240x512xi32, #tpu.memory_space<hbm>>
    tpu.enqueue_indirect_dma source(%dma_start3A_5 : memref<64x512xi32, #tpu.memory_space<vmem>>) target(%dma_start3A_11 : memref<10240x512xi32, #tpu.memory_space<hbm>>) offsets(%dma_start3A_8 : memref<64xi32, #tpu.memory_space<vmem>>) semaphore(%arg9 : memref<!tpu.dma_semaphore, #tpu.memory_space<semaphore_mem>>)
    %dma_start3A_12 = arith.constant 0 : i32
    %dma_start3A_13 = arith.constant 0 : i32
    %dma_start3A_14 = arith.constant 0 : i32
    %dma_start3A_15 = tpu.memref_slice %arg8[%dma_start3A_13, %dma_start3A_14] : memref<128x512xi32, #tpu.memory_space<vmem>> -> memref<64x512xi32, #tpu.memory_space<vmem>>
    %dma_start3A_16 = arith.constant 0 : i32
    %dma_start3A_17 = tpu.memref_slice %arg7[%dma_start3A_12, %dma_start3A_16] : memref<2x64xi32, #tpu.memory_space<vmem>> -> memref<1x64xi32, #tpu.memory_space<vmem>>
    %dma_start3A_18 = tpu.memref_squeeze %dma_start3A_17 : memref<1x64xi32, #tpu.memory_space<vmem>> -> memref<64xi32, #tpu.memory_space<vmem>>
    %dma_start3A_19 = arith.constant 0 : i32
    %dma_start3A_20 = arith.constant 0 : i32
    %dma_start3A_21 = tpu.memref_slice %arg5[%dma_start3A_19, %dma_start3A_20] : memref<10240x512xi32, #tpu.memory_space<hbm>> -> memref<10240x512xi32, #tpu.memory_space<hbm>>
    tpu.enqueue_indirect_dma source(%dma_start3A_15 : memref<64x512xi32, #tpu.memory_space<vmem>>) target(%dma_start3A_21 : memref<10240x512xi32, #tpu.memory_space<hbm>>) offsets(%dma_start3A_18 : memref<64xi32, #tpu.memory_space<vmem>>) semaphore(%arg9 : memref<!tpu.dma_semaphore, #tpu.memory_space<semaphore_mem>>)
    %dma_start3A_22 = arith.constant 1 : i32
    %dma_start3A_23 = arith.constant 64 : i32
    %dma_start3A_24 = arith.constant 0 : i32
    %dma_start3A_25 = tpu.memref_slice %arg8[%dma_start3A_23, %dma_start3A_24] : memref<128x512xi32, #tpu.memory_space<vmem>> -> memref<64x512xi32, #tpu.memory_space<vmem>>
    %dma_start3A_26 = arith.constant 0 : i32
    %dma_start3A_27 = tpu.memref_slice %arg6[%dma_start3A_22, %dma_start3A_26] : memref<2x64xi32, #tpu.memory_space<vmem>> -> memref<1x64xi32, #tpu.memory_space<vmem>>
    %dma_start3A_28 = tpu.memref_squeeze %dma_start3A_27 : memref<1x64xi32, #tpu.memory_space<vmem>> -> memref<64xi32, #tpu.memory_space<vmem>>
    %dma_start3A_29 = arith.constant 0 : i32
    %dma_start3A_30 = arith.constant 0 : i32
    %dma_start3A_31 = tpu.memref_slice %arg5[%dma_start3A_29, %dma_start3A_30] : memref<10240x512xi32, #tpu.memory_space<hbm>> -> memref<10240x512xi32, #tpu.memory_space<hbm>>
    tpu.enqueue_indirect_dma source(%dma_start3A_25 : memref<64x512xi32, #tpu.memory_space<vmem>>) target(%dma_start3A_31 : memref<10240x512xi32, #tpu.memory_space<hbm>>) offsets(%dma_start3A_28 : memref<64xi32, #tpu.memory_space<vmem>>) semaphore(%arg9 : memref<!tpu.dma_semaphore, #tpu.memory_space<semaphore_mem>>)
    %dma_start3A_32 = arith.constant 1 : i32
    %dma_start3A_33 = arith.constant 64 : i32
    %dma_start3A_34 = arith.constant 0 : i32
    %dma_start3A_35 = tpu.memref_slice %arg8[%dma_start3A_33, %dma_start3A_34] : memref<128x512xi32, #tpu.memory_space<vmem>> -> memref<64x512xi32, #tpu.memory_space<vmem>>
    %dma_start3A_36 = arith.constant 0 : i32
    %dma_start3A_37 = tpu.memref_slice %arg7[%dma_start3A_32, %dma_start3A_36] : memref<2x64xi32, #tpu.memory_space<vmem>> -> memref<1x64xi32, #tpu.memory_space<vmem>>
    %dma_start3A_38 = tpu.memref_squeeze %dma_start3A_37 : memref<1x64xi32, #tpu.memory_space<vmem>> -> memref<64xi32, #tpu.memory_space<vmem>>
    %dma_start3A_39 = arith.constant 0 : i32
    %dma_start3A_40 = arith.constant 0 : i32
    %dma_start3A_41 = tpu.memref_slice %arg5[%dma_start3A_39, %dma_start3A_40] : memref<10240x512xi32, #tpu.memory_space<hbm>> -> memref<10240x512xi32, #tpu.memory_space<hbm>>
    tpu.enqueue_indirect_dma source(%dma_start3A_35 : memref<64x512xi32, #tpu.memory_space<vmem>>) target(%dma_start3A_41 : memref<10240x512xi32, #tpu.memory_space<hbm>>) offsets(%dma_start3A_38 : memref<64xi32, #tpu.memory_space<vmem>>) semaphore(%arg9 : memref<!tpu.dma_semaphore, #tpu.memory_space<semaphore_mem>>)
    %dma_wait3A = arith.constant 0 : i32
    %dma_wait3A_42 = arith.constant 0 : i32
    %dma_wait3A_43 = arith.constant 0 : i32
    %dma_wait3A_44 = tpu.memref_slice %arg8[%dma_wait3A_42, %dma_wait3A_43] : memref<128x512xi32, #tpu.memory_space<vmem>> -> memref<64x512xi32, #tpu.memory_space<vmem>>
    %dma_wait3A_45 = arith.constant 0 : i32
    %dma_wait3A_46 = tpu.memref_slice %arg6[%dma_wait3A, %dma_wait3A_45] : memref<2x64xi32, #tpu.memory_space<vmem>> -> memref<1x64xi32, #tpu.memory_space<vmem>>
    %dma_wait3A_47 = tpu.memref_squeeze %dma_wait3A_46 : memref<1x64xi32, #tpu.memory_space<vmem>> -> memref<64xi32, #tpu.memory_space<vmem>>
    %dma_wait3A_48 = arith.constant 0 : i32
    %dma_wait3A_49 = arith.constant 0 : i32
    %dma_wait3A_50 = tpu.memref_slice %arg5[%dma_wait3A_48, %dma_wait3A_49] : memref<10240x512xi32, #tpu.memory_space<hbm>> -> memref<10240x512xi32, #tpu.memory_space<hbm>>
    tpu.wait_indirect_dma semaphore(%arg9 : memref<!tpu.dma_semaphore, #tpu.memory_space<semaphore_mem>>) src(%dma_wait3A_44 : memref<64x512xi32, #tpu.memory_space<vmem>>) dst(%dma_wait3A_50 : memref<10240x512xi32, #tpu.memory_space<hbm>>)
    %dma_wait3A_51 = arith.constant 0 : i32
    %dma_wait3A_52 = arith.constant 0 : i32
    %dma_wait3A_53 = arith.constant 0 : i32
    %dma_wait3A_54 = tpu.memref_slice %arg8[%dma_wait3A_52, %dma_wait3A_53] : memref<128x512xi32, #tpu.memory_space<vmem>> -> memref<64x512xi32, #tpu.memory_space<vmem>>
    %dma_wait3A_55 = arith.constant 0 : i32
    %dma_wait3A_56 = tpu.memref_slice %arg7[%dma_wait3A_51, %dma_wait3A_55] : memref<2x64xi32, #tpu.memory_space<vmem>> -> memref<1x64xi32, #tpu.memory_space<vmem>>
    %dma_wait3A_57 = tpu.memref_squeeze %dma_wait3A_56 : memref<1x64xi32, #tpu.memory_space<vmem>> -> memref<64xi32, #tpu.memory_space<vmem>>
    %dma_wait3A_58 = arith.constant 0 : i32
    %dma_wait3A_59 = arith.constant 0 : i32
    %dma_wait3A_60 = tpu.memref_slice %arg5[%dma_wait3A_58, %dma_wait3A_59] : memref<10240x512xi32, #tpu.memory_space<hbm>> -> memref<10240x512xi32, #tpu.memory_space<hbm>>
    tpu.wait_indirect_dma semaphore(%arg9 : memref<!tpu.dma_semaphore, #tpu.memory_space<semaphore_mem>>) src(%dma_wait3A_54 : memref<64x512xi32, #tpu.memory_space<vmem>>) dst(%dma_wait3A_60 : memref<10240x512xi32, #tpu.memory_space<hbm>>)
    %dma_wait3A_61 = arith.constant 1 : i32
    %dma_wait3A_62 = arith.constant 64 : i32
    %dma_wait3A_63 = arith.constant 0 : i32
    %dma_wait3A_64 = tpu.memref_slice %arg8[%dma_wait3A_62, %dma_wait3A_63] : memref<128x512xi32, #tpu.memory_space<vmem>> -> memref<64x512xi32, #tpu.memory_space<vmem>>
    %dma_wait3A_65 = arith.constant 0 : i32
    %dma_wait3A_66 = tpu.memref_slice %arg6[%dma_wait3A_61, %dma_wait3A_65] : memref<2x64xi32, #tpu.memory_space<vmem>> -> memref<1x64xi32, #tpu.memory_space<vmem>>
    %dma_wait3A_67 = tpu.memref_squeeze %dma_wait3A_66 : memref<1x64xi32, #tpu.memory_space<vmem>> -> memref<64xi32, #tpu.memory_space<vmem>>
    %dma_wait3A_68 = arith.constant 0 : i32
    %dma_wait3A_69 = arith.constant 0 : i32
    %dma_wait3A_70 = tpu.memref_slice %arg5[%dma_wait3A_68, %dma_wait3A_69] : memref<10240x512xi32, #tpu.memory_space<hbm>> -> memref<10240x512xi32, #tpu.memory_space<hbm>>
    tpu.wait_indirect_dma semaphore(%arg9 : memref<!tpu.dma_semaphore, #tpu.memory_space<semaphore_mem>>) src(%dma_wait3A_64 : memref<64x512xi32, #tpu.memory_space<vmem>>) dst(%dma_wait3A_70 : memref<10240x512xi32, #tpu.memory_space<hbm>>)
    %dma_wait3A_71 = arith.constant 1 : i32
    %dma_wait3A_72 = arith.constant 64 : i32
    %dma_wait3A_73 = arith.constant 0 : i32
    %dma_wait3A_74 = tpu.memref_slice %arg8[%dma_wait3A_72, %dma_wait3A_73] : memref<128x512xi32, #tpu.memory_space<vmem>> -> memref<64x512xi32, #tpu.memory_space<vmem>>
    %dma_wait3A_75 = arith.constant 0 : i32
    %dma_wait3A_76 = tpu.memref_slice %arg7[%dma_wait3A_71, %dma_wait3A_75] : memref<2x64xi32, #tpu.memory_space<vmem>> -> memref<1x64xi32, #tpu.memory_space<vmem>>
    %dma_wait3A_77 = tpu.memref_squeeze %dma_wait3A_76 : memref<1x64xi32, #tpu.memory_space<vmem>> -> memref<64xi32, #tpu.memory_space<vmem>>
    %dma_wait3A_78 = arith.constant 0 : i32
    %dma_wait3A_79 = arith.constant 0 : i32
    %dma_wait3A_80 = tpu.memref_slice %arg5[%dma_wait3A_78, %dma_wait3A_79] : memref<10240x512xi32, #tpu.memory_space<hbm>> -> memref<10240x512xi32, #tpu.memory_space<hbm>>
    tpu.wait_indirect_dma semaphore(%arg9 : memref<!tpu.dma_semaphore, #tpu.memory_space<semaphore_mem>>) src(%dma_wait3A_74 : memref<64x512xi32, #tpu.memory_space<vmem>>) dst(%dma_wait3A_80 : memref<10240x512xi32, #tpu.memory_space<hbm>>)
    return
  }
}

module attributes {stable_mosaic.version = 14 : i64} {
  func.func @_route_kernel(%arg0: memref<4096x1024xf32, #tpu.memory_space<vmem>>, %arg1: memref<8x1024xf32, #tpu.memory_space<vmem>>, %arg2: memref<4096x1xi32, #tpu.memory_space<vmem>>, %arg3: memref<4096x1xi32, #tpu.memory_space<vmem>>, %arg4: memref<4096x1xf32, #tpu.memory_space<vmem>>, %arg5: memref<4096x1xf32, #tpu.memory_space<vmem>>, %arg6: memref<1x40xi32, #tpu.memory_space<vmem>>, %arg7: memref<4096x512xi32, #tpu.memory_space<vmem>>) attributes {dimension_semantics = [], scalar_prefetch = 0 : i64, scratch_operands = 0 : i64, tpu.core_type = #tpu.core_type<tc>} {
    %get3A = arith.constant 0 : index
    %get3A_0 = arith.constant 0 : index
    %get3A_1 = vector.load %arg0[%get3A, %get3A_0] : memref<4096x1024xf32, #tpu.memory_space<vmem>>, vector<4096x1024xf32>
    %bitcast_convert_type3A = tpu.bitcast %get3A_1 : vector<4096x1024xf32> -> vector<4096x1024xi32>
    %add3A = arith.constant 32768 : i32
    %add3A_2 = vector.broadcast %add3A : i32 to vector<4096x1024xi32>
    %add3A_3 = arith.addi %bitcast_convert_type3A, %add3A_2 : vector<4096x1024xi32>
    %shift_right_logical3A = arith.constant 16 : i32
    %shift_right_logical3A_4 = vector.broadcast %shift_right_logical3A : i32 to vector<4096x1024xi32>
    %shift_right_logical3A_5 = arith.shrui %add3A_3, %shift_right_logical3A_4 : vector<4096x1024xi32>
    %slice3A = vector.extract_strided_slice %shift_right_logical3A_5 {offsets = [0, 0], sizes = [4096, 512], strides = [1, 1]} : vector<4096x1024xi32> to vector<4096x512xi32>
    %slice3A_6 = vector.extract_strided_slice %shift_right_logical3A_5 {offsets = [0, 512], sizes = [4096, 512], strides = [1, 1]} : vector<4096x1024xi32> to vector<4096x512xi32>
    %shift_left3A = arith.constant 16 : i32
    %shift_left3A_7 = vector.broadcast %shift_left3A : i32 to vector<4096x512xi32>
    %shift_left3A_8 = arith.shli %slice3A_6, %shift_left3A_7 : vector<4096x512xi32>
    %or3A = arith.ori %shift_left3A_8, %slice3A : vector<4096x512xi32>
    %bitcast_convert_type3A_9 = tpu.bitcast %or3A : vector<4096x512xi32> -> vector<4096x512xi32>
    %swap3A = arith.constant 0 : index
    %swap3A_10 = arith.constant 0 : index
    %swap3A_11 = vector.load %arg7[%swap3A, %swap3A_10] : memref<4096x512xi32, #tpu.memory_space<vmem>>, vector<4096x512xi32>
    tpu.vector_store %arg7[%swap3A, %swap3A_10], %bitcast_convert_type3A_9 {strides = array<i32>} : memref<4096x512xi32, #tpu.memory_space<vmem>>, vector<4096x512xi32>,
    %get3A_12 = arith.constant 0 : index
    %get3A_13 = arith.constant 0 : index
    %get3A_14 = vector.load %arg1[%get3A_12, %get3A_13] : memref<8x1024xf32, #tpu.memory_space<vmem>>, vector<8x1024xf32>
    %transpose3A = tpu.transpose %get3A_14, [1, 0] : vector<8x1024xf32> -> vector<1024x8xf32>
    %dot_general3A = arith.constant dense<0.000000e+00> : vector<4096x8xf32>
    %dot_general3A_15 = tpu.matmul %get3A_1, %transpose3A, %dot_general3A {dimension_numbers = #tpu.dot_dimension_numbers<[1], [0], [0], [1], [0, 0, 1, 1], [], []>, transpose_lhs_hint = false} : vector<4096x1024xf32>, vector<1024x8xf32>, vector<4096x8xf32> -> vector<4096x8xf32>
    %reduce_max3A = arith.constant dense<0xFF800000> : vector<4096xf32>
    %reduce_max3A_16 = vector.multi_reduction <maximumf>, %dot_general3A_15, %reduce_max3A [1] : vector<4096x8xf32> to vector<4096xf32>
    %broadcast_in_dim3A = vector.shape_cast %reduce_max3A_16 : vector<4096xf32> to vector<4096x1xf32>
    %sub3A = vector.broadcast %broadcast_in_dim3A : vector<4096x1xf32> to vector<4096x8xf32>
    %sub3A_17 = arith.subf %dot_general3A_15, %sub3A : vector<4096x8xf32>
    %exp3A = math.exp %sub3A_17 : vector<4096x8xf32>
    %reduce_sum3A = arith.constant dense<0.000000e+00> : vector<4096xf32>
    %reduce_sum3A_18 = vector.multi_reduction <add>, %exp3A, %reduce_sum3A [1] : vector<4096x8xf32> to vector<4096xf32>
    %broadcast_in_dim3A_19 = vector.shape_cast %reduce_sum3A_18 : vector<4096xf32> to vector<4096x1xf32>
    %div3A = vector.broadcast %broadcast_in_dim3A_19 : vector<4096x1xf32> to vector<4096x8xf32>
    %div3A_20 = arith.divf %exp3A, %div3A : vector<4096x8xf32>
    %iota3A = tpu.iota {dimensions = array<i32: 1>} : vector<4096x8xi32>
    %reduce_max3A_21 = arith.constant dense<0xFF800000> : vector<4096xf32>
    %reduce_max3A_22 = vector.multi_reduction <maximumf>, %div3A_20, %reduce_max3A_21 [1] : vector<4096x8xf32> to vector<4096xf32>
    %broadcast_in_dim3A_23 = vector.shape_cast %reduce_max3A_22 : vector<4096xf32> to vector<4096x1xf32>
    %eq3A = vector.broadcast %broadcast_in_dim3A_23 : vector<4096x1xf32> to vector<4096x8xf32>
    %eq3A_24 = arith.cmpf oeq, %div3A_20, %eq3A : vector<4096x8xf32>
    %jit3A = arith.constant 8 : i32
    %broadcast_in_dim3A_25 = vector.broadcast %jit3A : i32 to vector<4096x8xi32>
    %select_n3A = arith.select %eq3A_24, %iota3A, %broadcast_in_dim3A_25 : vector<4096x8xi1>, vector<4096x8xi32>
    %reduce_min3A = arith.constant dense<2147483647> : vector<4096xi32>
    %reduce_min3A_26 = vector.multi_reduction <minsi>, %select_n3A, %reduce_min3A [1] : vector<4096x8xi32> to vector<4096xi32>
    %broadcast_in_dim3A_27 = vector.shape_cast %reduce_min3A_26 : vector<4096xi32> to vector<4096x1xi32>
    %eq3A_28 = vector.broadcast %broadcast_in_dim3A_27 : vector<4096x1xi32> to vector<4096x8xi32>
    %eq3A_29 = arith.cmpi eq, %iota3A, %eq3A_28 : vector<4096x8xi32>
    %jit3A_30 = arith.constant 0xFF800000 : f32
    %broadcast_in_dim3A_31 = vector.broadcast %jit3A_30 : f32 to vector<4096x8xf32>
    %select_n3A_32 = arith.select %eq3A_29, %broadcast_in_dim3A_31, %div3A_20 : vector<4096x8xi1>, vector<4096x8xf32>
    %reduce_max3A_33 = arith.constant dense<0xFF800000> : vector<4096xf32>
    %reduce_max3A_34 = vector.multi_reduction <maximumf>, %select_n3A_32, %reduce_max3A_33 [1] : vector<4096x8xf32> to vector<4096xf32>
    %broadcast_in_dim3A_35 = vector.shape_cast %reduce_max3A_34 : vector<4096xf32> to vector<4096x1xf32>
    %eq3A_36 = vector.broadcast %broadcast_in_dim3A_35 : vector<4096x1xf32> to vector<4096x8xf32>
    %eq3A_37 = arith.cmpf oeq, %select_n3A_32, %eq3A_36 : vector<4096x8xf32>
    %jit3A_38 = arith.constant 8 : i32
    %broadcast_in_dim3A_39 = vector.broadcast %jit3A_38 : i32 to vector<4096x8xi32>
    %select_n3A_40 = arith.select %eq3A_37, %iota3A, %broadcast_in_dim3A_39 : vector<4096x8xi1>, vector<4096x8xi32>
    %reduce_min3A_41 = arith.constant dense<2147483647> : vector<4096xi32>
    %reduce_min3A_42 = vector.multi_reduction <minsi>, %select_n3A_40, %reduce_min3A_41 [1] : vector<4096x8xi32> to vector<4096xi32>
    %broadcast_in_dim3A_43 = vector.shape_cast %reduce_min3A_42 : vector<4096xi32> to vector<4096x1xi32>
    %eq3A_44 = vector.broadcast %broadcast_in_dim3A_27 : vector<4096x1xi32> to vector<4096x8xi32>
    %eq3A_45 = arith.cmpi eq, %iota3A, %eq3A_44 : vector<4096x8xi32>
    %convert_element_type3A = arith.extui %eq3A_45 : vector<4096x8xi1> to vector<4096x8xi32>
    %convert_element_type3A_46 = arith.sitofp %convert_element_type3A : vector<4096x8xi32> to vector<4096x8xf32>
    %eq3A_47 = vector.broadcast %broadcast_in_dim3A_43 : vector<4096x1xi32> to vector<4096x8xi32>
    %eq3A_48 = arith.cmpi eq, %iota3A, %eq3A_47 : vector<4096x8xi32>
    %convert_element_type3A_49 = arith.extui %eq3A_48 : vector<4096x8xi1> to vector<4096x8xi32>
    %convert_element_type3A_50 = arith.sitofp %convert_element_type3A_49 : vector<4096x8xi32> to vector<4096x8xf32>
    %iota3A_51 = tpu.iota {dimensions = array<i32: 0>} : vector<512x512xi32>
    %iota3A_52 = tpu.iota {dimensions = array<i32: 1>} : vector<512x512xi32>
    %lt3A = arith.cmpi slt, %iota3A_52, %iota3A_51 : vector<512x512xi32>
    %convert_element_type3A_53 = arith.extui %lt3A : vector<512x512xi1> to vector<512x512xi32>
    %convert_element_type3A_54 = arith.sitofp %convert_element_type3A_53 : vector<512x512xi32> to vector<512x512xf32>
    %broadcast_in_dim3A_55 = arith.constant 1.000000e+00 : f32
    %broadcast_in_dim3A_56 = vector.broadcast %broadcast_in_dim3A_55 : f32 to vector<1x512xf32>
    %slice3A_57 = vector.extract_strided_slice %convert_element_type3A_46 {offsets = [0, 0], sizes = [512, 8], strides = [1, 1]} : vector<4096x8xf32> to vector<512x8xf32>
    %slice3A_58 = vector.extract_strided_slice %convert_element_type3A_50 {offsets = [0, 0], sizes = [512, 8], strides = [1, 1]} : vector<4096x8xf32> to vector<512x8xf32>
    %dot_general3A_59 = arith.constant dense<0.000000e+00> : vector<512x8xf32>
    %dot_general3A_60 = tpu.matmul %convert_element_type3A_54, %slice3A_57, %dot_general3A_59 {dimension_numbers = #tpu.dot_dimension_numbers<[1], [0], [0], [1], [0, 0, 1, 1], [], []>, transpose_lhs_hint = false} : vector<512x512xf32>, vector<512x8xf32>, vector<512x8xf32> -> vector<512x8xf32>
    %dot_general3A_61 = arith.constant dense<0.000000e+00> : vector<512x8xf32>
    %dot_general3A_62 = tpu.matmul %convert_element_type3A_54, %slice3A_58, %dot_general3A_61 {dimension_numbers = #tpu.dot_dimension_numbers<[1], [0], [0], [1], [0, 0, 1, 1], [], []>, transpose_lhs_hint = false} : vector<512x512xf32>, vector<512x8xf32>, vector<512x8xf32> -> vector<512x8xf32>
    %dot_general3A_63 = arith.constant dense<0.000000e+00> : vector<1x8xf32>
    %dot_general3A_64 = tpu.matmul %broadcast_in_dim3A_56, %slice3A_57, %dot_general3A_63 {dimension_numbers = #tpu.dot_dimension_numbers<[1], [0], [0], [1], [0, 0, 1, 1], [], []>, transpose_lhs_hint = false} : vector<1x512xf32>, vector<512x8xf32>, vector<1x8xf32> -> vector<1x8xf32>
    %dot_general3A_65 = arith.constant dense<0.000000e+00> : vector<1x8xf32>
    %dot_general3A_66 = tpu.matmul %broadcast_in_dim3A_56, %slice3A_58, %dot_general3A_65 {dimension_numbers = #tpu.dot_dimension_numbers<[1], [0], [0], [1], [0, 0, 1, 1], [], []>, transpose_lhs_hint = false} : vector<1x512xf32>, vector<512x8xf32>, vector<1x8xf32> -> vector<1x8xf32>
    %slice3A_67 = vector.extract_strided_slice %convert_element_type3A_46 {offsets = [512, 0], sizes = [512, 8], strides = [1, 1]} : vector<4096x8xf32> to vector<512x8xf32>
    %slice3A_68 = vector.extract_strided_slice %convert_element_type3A_50 {offsets = [512, 0], sizes = [512, 8], strides = [1, 1]} : vector<4096x8xf32> to vector<512x8xf32>
    %dot_general3A_69 = arith.constant dense<0.000000e+00> : vector<512x8xf32>
    %dot_general3A_70 = tpu.matmul %convert_element_type3A_54, %slice3A_67, %dot_general3A_69 {dimension_numbers = #tpu.dot_dimension_numbers<[1], [0], [0], [1], [0, 0, 1, 1], [], []>, transpose_lhs_hint = false} : vector<512x512xf32>, vector<512x8xf32>, vector<512x8xf32> -> vector<512x8xf32>
    %dot_general3A_71 = arith.constant dense<0.000000e+00> : vector<512x8xf32>
    %dot_general3A_72 = tpu.matmul %convert_element_type3A_54, %slice3A_68, %dot_general3A_71 {dimension_numbers = #tpu.dot_dimension_numbers<[1], [0], [0], [1], [0, 0, 1, 1], [], []>, transpose_lhs_hint = false} : vector<512x512xf32>, vector<512x8xf32>, vector<512x8xf32> -> vector<512x8xf32>
    %dot_general3A_73 = arith.constant dense<0.000000e+00> : vector<1x8xf32>
    %dot_general3A_74 = tpu.matmul %broadcast_in_dim3A_56, %slice3A_67, %dot_general3A_73 {dimension_numbers = #tpu.dot_dimension_numbers<[1], [0], [0], [1], [0, 0, 1, 1], [], []>, transpose_lhs_hint = false} : vector<1x512xf32>, vector<512x8xf32>, vector<1x8xf32> -> vector<1x8xf32>
    %dot_general3A_75 = arith.constant dense<0.000000e+00> : vector<1x8xf32>
    %dot_general3A_76 = tpu.matmul %broadcast_in_dim3A_56, %slice3A_68, %dot_general3A_75 {dimension_numbers = #tpu.dot_dimension_numbers<[1], [0], [0], [1], [0, 0, 1, 1], [], []>, transpose_lhs_hint = false} : vector<1x512xf32>, vector<512x8xf32>, vector<1x8xf32> -> vector<1x8xf32>
    %slice3A_77 = vector.extract_strided_slice %convert_element_type3A_46 {offsets = [1024, 0], sizes = [512, 8], strides = [1, 1]} : vector<4096x8xf32> to vector<512x8xf32>
    %slice3A_78 = vector.extract_strided_slice %convert_element_type3A_50 {offsets = [1024, 0], sizes = [512, 8], strides = [1, 1]} : vector<4096x8xf32> to vector<512x8xf32>
    %dot_general3A_79 = arith.constant dense<0.000000e+00> : vector<512x8xf32>
    %dot_general3A_80 = tpu.matmul %convert_element_type3A_54, %slice3A_77, %dot_general3A_79 {dimension_numbers = #tpu.dot_dimension_numbers<[1], [0], [0], [1], [0, 0, 1, 1], [], []>, transpose_lhs_hint = false} : vector<512x512xf32>, vector<512x8xf32>, vector<512x8xf32> -> vector<512x8xf32>
    %dot_general3A_81 = arith.constant dense<0.000000e+00> : vector<512x8xf32>
    %dot_general3A_82 = tpu.matmul %convert_element_type3A_54, %slice3A_78, %dot_general3A_81 {dimension_numbers = #tpu.dot_dimension_numbers<[1], [0], [0], [1], [0, 0, 1, 1], [], []>, transpose_lhs_hint = false} : vector<512x512xf32>, vector<512x8xf32>, vector<512x8xf32> -> vector<512x8xf32>
    %dot_general3A_83 = arith.constant dense<0.000000e+00> : vector<1x8xf32>
    %dot_general3A_84 = tpu.matmul %broadcast_in_dim3A_56, %slice3A_77, %dot_general3A_83 {dimension_numbers = #tpu.dot_dimension_numbers<[1], [0], [0], [1], [0, 0, 1, 1], [], []>, transpose_lhs_hint = false} : vector<1x512xf32>, vector<512x8xf32>, vector<1x8xf32> -> vector<1x8xf32>
    %dot_general3A_85 = arith.constant dense<0.000000e+00> : vector<1x8xf32>
    %dot_general3A_86 = tpu.matmul %broadcast_in_dim3A_56, %slice3A_78, %dot_general3A_85 {dimension_numbers = #tpu.dot_dimension_numbers<[1], [0], [0], [1], [0, 0, 1, 1], [], []>, transpose_lhs_hint = false} : vector<1x512xf32>, vector<512x8xf32>, vector<1x8xf32> -> vector<1x8xf32>
    %slice3A_87 = vector.extract_strided_slice %convert_element_type3A_46 {offsets = [1536, 0], sizes = [512, 8], strides = [1, 1]} : vector<4096x8xf32> to vector<512x8xf32>
    %slice3A_88 = vector.extract_strided_slice %convert_element_type3A_50 {offsets = [1536, 0], sizes = [512, 8], strides = [1, 1]} : vector<4096x8xf32> to vector<512x8xf32>
    %dot_general3A_89 = arith.constant dense<0.000000e+00> : vector<512x8xf32>
    %dot_general3A_90 = tpu.matmul %convert_element_type3A_54, %slice3A_87, %dot_general3A_89 {dimension_numbers = #tpu.dot_dimension_numbers<[1], [0], [0], [1], [0, 0, 1, 1], [], []>, transpose_lhs_hint = false} : vector<512x512xf32>, vector<512x8xf32>, vector<512x8xf32> -> vector<512x8xf32>
    %dot_general3A_91 = arith.constant dense<0.000000e+00> : vector<512x8xf32>
    %dot_general3A_92 = tpu.matmul %convert_element_type3A_54, %slice3A_88, %dot_general3A_91 {dimension_numbers = #tpu.dot_dimension_numbers<[1], [0], [0], [1], [0, 0, 1, 1], [], []>, transpose_lhs_hint = false} : vector<512x512xf32>, vector<512x8xf32>, vector<512x8xf32> -> vector<512x8xf32>
    %dot_general3A_93 = arith.constant dense<0.000000e+00> : vector<1x8xf32>
    %dot_general3A_94 = tpu.matmul %broadcast_in_dim3A_56, %slice3A_87, %dot_general3A_93 {dimension_numbers = #tpu.dot_dimension_numbers<[1], [0], [0], [1], [0, 0, 1, 1], [], []>, transpose_lhs_hint = false} : vector<1x512xf32>, vector<512x8xf32>, vector<1x8xf32> -> vector<1x8xf32>
    %dot_general3A_95 = arith.constant dense<0.000000e+00> : vector<1x8xf32>
    %dot_general3A_96 = tpu.matmul %broadcast_in_dim3A_56, %slice3A_88, %dot_general3A_95 {dimension_numbers = #tpu.dot_dimension_numbers<[1], [0], [0], [1], [0, 0, 1, 1], [], []>, transpose_lhs_hint = false} : vector<1x512xf32>, vector<512x8xf32>, vector<1x8xf32> -> vector<1x8xf32>
    %slice3A_97 = vector.extract_strided_slice %convert_element_type3A_46 {offsets = [2048, 0], sizes = [512, 8], strides = [1, 1]} : vector<4096x8xf32> to vector<512x8xf32>
    %slice3A_98 = vector.extract_strided_slice %convert_element_type3A_50 {offsets = [2048, 0], sizes = [512, 8], strides = [1, 1]} : vector<4096x8xf32> to vector<512x8xf32>
    %dot_general3A_99 = arith.constant dense<0.000000e+00> : vector<512x8xf32>
    %dot_general3A_100 = tpu.matmul %convert_element_type3A_54, %slice3A_97, %dot_general3A_99 {dimension_numbers = #tpu.dot_dimension_numbers<[1], [0], [0], [1], [0, 0, 1, 1], [], []>, transpose_lhs_hint = false} : vector<512x512xf32>, vector<512x8xf32>, vector<512x8xf32> -> vector<512x8xf32>
    %dot_general3A_101 = arith.constant dense<0.000000e+00> : vector<512x8xf32>
    %dot_general3A_102 = tpu.matmul %convert_element_type3A_54, %slice3A_98, %dot_general3A_101 {dimension_numbers = #tpu.dot_dimension_numbers<[1], [0], [0], [1], [0, 0, 1, 1], [], []>, transpose_lhs_hint = false} : vector<512x512xf32>, vector<512x8xf32>, vector<512x8xf32> -> vector<512x8xf32>
    %dot_general3A_103 = arith.constant dense<0.000000e+00> : vector<1x8xf32>
    %dot_general3A_104 = tpu.matmul %broadcast_in_dim3A_56, %slice3A_97, %dot_general3A_103 {dimension_numbers = #tpu.dot_dimension_numbers<[1], [0], [0], [1], [0, 0, 1, 1], [], []>, transpose_lhs_hint = false} : vector<1x512xf32>, vector<512x8xf32>, vector<1x8xf32> -> vector<1x8xf32>
    %dot_general3A_105 = arith.constant dense<0.000000e+00> : vector<1x8xf32>
    %dot_general3A_106 = tpu.matmul %broadcast_in_dim3A_56, %slice3A_98, %dot_general3A_105 {dimension_numbers = #tpu.dot_dimension_numbers<[1], [0], [0], [1], [0, 0, 1, 1], [], []>, transpose_lhs_hint = false} : vector<1x512xf32>, vector<512x8xf32>, vector<1x8xf32> -> vector<1x8xf32>
    %slice3A_107 = vector.extract_strided_slice %convert_element_type3A_46 {offsets = [2560, 0], sizes = [512, 8], strides = [1, 1]} : vector<4096x8xf32> to vector<512x8xf32>
    %slice3A_108 = vector.extract_strided_slice %convert_element_type3A_50 {offsets = [2560, 0], sizes = [512, 8], strides = [1, 1]} : vector<4096x8xf32> to vector<512x8xf32>
    %dot_general3A_109 = arith.constant dense<0.000000e+00> : vector<512x8xf32>
    %dot_general3A_110 = tpu.matmul %convert_element_type3A_54, %slice3A_107, %dot_general3A_109 {dimension_numbers = #tpu.dot_dimension_numbers<[1], [0], [0], [1], [0, 0, 1, 1], [], []>, transpose_lhs_hint = false} : vector<512x512xf32>, vector<512x8xf32>, vector<512x8xf32> -> vector<512x8xf32>
    %dot_general3A_111 = arith.constant dense<0.000000e+00> : vector<512x8xf32>
    %dot_general3A_112 = tpu.matmul %convert_element_type3A_54, %slice3A_108, %dot_general3A_111 {dimension_numbers = #tpu.dot_dimension_numbers<[1], [0], [0], [1], [0, 0, 1, 1], [], []>, transpose_lhs_hint = false} : vector<512x512xf32>, vector<512x8xf32>, vector<512x8xf32> -> vector<512x8xf32>
    %dot_general3A_113 = arith.constant dense<0.000000e+00> : vector<1x8xf32>
    %dot_general3A_114 = tpu.matmul %broadcast_in_dim3A_56, %slice3A_107, %dot_general3A_113 {dimension_numbers = #tpu.dot_dimension_numbers<[1], [0], [0], [1], [0, 0, 1, 1], [], []>, transpose_lhs_hint = false} : vector<1x512xf32>, vector<512x8xf32>, vector<1x8xf32> -> vector<1x8xf32>
    %dot_general3A_115 = arith.constant dense<0.000000e+00> : vector<1x8xf32>
    %dot_general3A_116 = tpu.matmul %broadcast_in_dim3A_56, %slice3A_108, %dot_general3A_115 {dimension_numbers = #tpu.dot_dimension_numbers<[1], [0], [0], [1], [0, 0, 1, 1], [], []>, transpose_lhs_hint = false} : vector<1x512xf32>, vector<512x8xf32>, vector<1x8xf32> -> vector<1x8xf32>
    %slice3A_117 = vector.extract_strided_slice %convert_element_type3A_46 {offsets = [3072, 0], sizes = [512, 8], strides = [1, 1]} : vector<4096x8xf32> to vector<512x8xf32>
    %slice3A_118 = vector.extract_strided_slice %convert_element_type3A_50 {offsets = [3072, 0], sizes = [512, 8], strides = [1, 1]} : vector<4096x8xf32> to vector<512x8xf32>
    %dot_general3A_119 = arith.constant dense<0.000000e+00> : vector<512x8xf32>
    %dot_general3A_120 = tpu.matmul %convert_element_type3A_54, %slice3A_117, %dot_general3A_119 {dimension_numbers = #tpu.dot_dimension_numbers<[1], [0], [0], [1], [0, 0, 1, 1], [], []>, transpose_lhs_hint = false} : vector<512x512xf32>, vector<512x8xf32>, vector<512x8xf32> -> vector<512x8xf32>
    %dot_general3A_121 = arith.constant dense<0.000000e+00> : vector<512x8xf32>
    %dot_general3A_122 = tpu.matmul %convert_element_type3A_54, %slice3A_118, %dot_general3A_121 {dimension_numbers = #tpu.dot_dimension_numbers<[1], [0], [0], [1], [0, 0, 1, 1], [], []>, transpose_lhs_hint = false} : vector<512x512xf32>, vector<512x8xf32>, vector<512x8xf32> -> vector<512x8xf32>
    %dot_general3A_123 = arith.constant dense<0.000000e+00> : vector<1x8xf32>
    %dot_general3A_124 = tpu.matmul %broadcast_in_dim3A_56, %slice3A_117, %dot_general3A_123 {dimension_numbers = #tpu.dot_dimension_numbers<[1], [0], [0], [1], [0, 0, 1, 1], [], []>, transpose_lhs_hint = false} : vector<1x512xf32>, vector<512x8xf32>, vector<1x8xf32> -> vector<1x8xf32>
    %dot_general3A_125 = arith.constant dense<0.000000e+00> : vector<1x8xf32>
    %dot_general3A_126 = tpu.matmul %broadcast_in_dim3A_56, %slice3A_118, %dot_general3A_125 {dimension_numbers = #tpu.dot_dimension_numbers<[1], [0], [0], [1], [0, 0, 1, 1], [], []>, transpose_lhs_hint = false} : vector<1x512xf32>, vector<512x8xf32>, vector<1x8xf32> -> vector<1x8xf32>
    %slice3A_127 = vector.extract_strided_slice %convert_element_type3A_46 {offsets = [3584, 0], sizes = [512, 8], strides = [1, 1]} : vector<4096x8xf32> to vector<512x8xf32>
    %slice3A_128 = vector.extract_strided_slice %convert_element_type3A_50 {offsets = [3584, 0], sizes = [512, 8], strides = [1, 1]} : vector<4096x8xf32> to vector<512x8xf32>
    %dot_general3A_129 = arith.constant dense<0.000000e+00> : vector<512x8xf32>
    %dot_general3A_130 = tpu.matmul %convert_element_type3A_54, %slice3A_127, %dot_general3A_129 {dimension_numbers = #tpu.dot_dimension_numbers<[1], [0], [0], [1], [0, 0, 1, 1], [], []>, transpose_lhs_hint = false} : vector<512x512xf32>, vector<512x8xf32>, vector<512x8xf32> -> vector<512x8xf32>
    %dot_general3A_131 = arith.constant dense<0.000000e+00> : vector<512x8xf32>
    %dot_general3A_132 = tpu.matmul %convert_element_type3A_54, %slice3A_128, %dot_general3A_131 {dimension_numbers = #tpu.dot_dimension_numbers<[1], [0], [0], [1], [0, 0, 1, 1], [], []>, transpose_lhs_hint = false} : vector<512x512xf32>, vector<512x8xf32>, vector<512x8xf32> -> vector<512x8xf32>
    %dot_general3A_133 = arith.constant dense<0.000000e+00> : vector<1x8xf32>
    %dot_general3A_134 = tpu.matmul %broadcast_in_dim3A_56, %slice3A_127, %dot_general3A_133 {dimension_numbers = #tpu.dot_dimension_numbers<[1], [0], [0], [1], [0, 0, 1, 1], [], []>, transpose_lhs_hint = false} : vector<1x512xf32>, vector<512x8xf32>, vector<1x8xf32> -> vector<1x8xf32>
    %dot_general3A_135 = arith.constant dense<0.000000e+00> : vector<1x8xf32>
    %dot_general3A_136 = tpu.matmul %broadcast_in_dim3A_56, %slice3A_128, %dot_general3A_135 {dimension_numbers = #tpu.dot_dimension_numbers<[1], [0], [0], [1], [0, 0, 1, 1], [], []>, transpose_lhs_hint = false} : vector<1x512xf32>, vector<512x8xf32>, vector<1x8xf32> -> vector<1x8xf32>
    %concatenate3A = tpu.concatenate %dot_general3A_64, %dot_general3A_74, %dot_general3A_84, %dot_general3A_94, %dot_general3A_104, %dot_general3A_114, %dot_general3A_124, %dot_general3A_134 in 0 : vector<1x8xf32>, vector<1x8xf32>, vector<1x8xf32>, vector<1x8xf32>, vector<1x8xf32>, vector<1x8xf32>, vector<1x8xf32>, vector<1x8xf32> -> vector<8x8xf32>
    %concatenate3A_137 = tpu.concatenate %dot_general3A_66, %dot_general3A_76, %dot_general3A_86, %dot_general3A_96, %dot_general3A_106, %dot_general3A_116, %dot_general3A_126, %dot_general3A_136 in 0 : vector<1x8xf32>, vector<1x8xf32>, vector<1x8xf32>, vector<1x8xf32>, vector<1x8xf32>, vector<1x8xf32>, vector<1x8xf32>, vector<1x8xf32> -> vector<8x8xf32>
    %iota3A_138 = tpu.iota {dimensions = array<i32: 0>} : vector<8x8xi32>
    %iota3A_139 = tpu.iota {dimensions = array<i32: 1>} : vector<8x8xi32>
    %lt3A_140 = arith.cmpi slt, %iota3A_139, %iota3A_138 : vector<8x8xi32>
    %convert_element_type3A_141 = arith.extui %lt3A_140 : vector<8x8xi1> to vector<8x8xi32>
    %convert_element_type3A_142 = arith.sitofp %convert_element_type3A_141 : vector<8x8xi32> to vector<8x8xf32>
    %dot_general3A_143 = arith.constant dense<0.000000e+00> : vector<8x8xf32>
    %dot_general3A_144 = tpu.matmul %convert_element_type3A_142, %concatenate3A, %dot_general3A_143 {dimension_numbers = #tpu.dot_dimension_numbers<[1], [0], [0], [1], [0, 0, 1, 1], [], []>, transpose_lhs_hint = false} : vector<8x8xf32>, vector<8x8xf32>, vector<8x8xf32> -> vector<8x8xf32>
    %dot_general3A_145 = arith.constant dense<0.000000e+00> : vector<8x8xf32>
    %dot_general3A_146 = tpu.matmul %convert_element_type3A_142, %concatenate3A_137, %dot_general3A_145 {dimension_numbers = #tpu.dot_dimension_numbers<[1], [0], [0], [1], [0, 0, 1, 1], [], []>, transpose_lhs_hint = false} : vector<8x8xf32>, vector<8x8xf32>, vector<8x8xf32> -> vector<8x8xf32>
    %slice3A_147 = vector.extract_strided_slice %dot_general3A_144 {offsets = [0, 0], sizes = [1, 8], strides = [1, 1]} : vector<8x8xf32> to vector<1x8xf32>
    %add3A_148 = vector.broadcast %slice3A_147 : vector<1x8xf32> to vector<512x8xf32>
    %add3A_149 = arith.addf %dot_general3A_60, %add3A_148 : vector<512x8xf32>
    %slice3A_150 = vector.extract_strided_slice %dot_general3A_144 {offsets = [1, 0], sizes = [1, 8], strides = [1, 1]} : vector<8x8xf32> to vector<1x8xf32>
    %add3A_151 = vector.broadcast %slice3A_150 : vector<1x8xf32> to vector<512x8xf32>
    %add3A_152 = arith.addf %dot_general3A_70, %add3A_151 : vector<512x8xf32>
    %slice3A_153 = vector.extract_strided_slice %dot_general3A_144 {offsets = [2, 0], sizes = [1, 8], strides = [1, 1]} : vector<8x8xf32> to vector<1x8xf32>
    %add3A_154 = vector.broadcast %slice3A_153 : vector<1x8xf32> to vector<512x8xf32>
    %add3A_155 = arith.addf %dot_general3A_80, %add3A_154 : vector<512x8xf32>
    %slice3A_156 = vector.extract_strided_slice %dot_general3A_144 {offsets = [3, 0], sizes = [1, 8], strides = [1, 1]} : vector<8x8xf32> to vector<1x8xf32>
    %add3A_157 = vector.broadcast %slice3A_156 : vector<1x8xf32> to vector<512x8xf32>
    %add3A_158 = arith.addf %dot_general3A_90, %add3A_157 : vector<512x8xf32>
    %slice3A_159 = vector.extract_strided_slice %dot_general3A_144 {offsets = [4, 0], sizes = [1, 8], strides = [1, 1]} : vector<8x8xf32> to vector<1x8xf32>
    %add3A_160 = vector.broadcast %slice3A_159 : vector<1x8xf32> to vector<512x8xf32>
    %add3A_161 = arith.addf %dot_general3A_100, %add3A_160 : vector<512x8xf32>
    %slice3A_162 = vector.extract_strided_slice %dot_general3A_144 {offsets = [5, 0], sizes = [1, 8], strides = [1, 1]} : vector<8x8xf32> to vector<1x8xf32>
    %add3A_163 = vector.broadcast %slice3A_162 : vector<1x8xf32> to vector<512x8xf32>
    %add3A_164 = arith.addf %dot_general3A_110, %add3A_163 : vector<512x8xf32>
    %slice3A_165 = vector.extract_strided_slice %dot_general3A_144 {offsets = [6, 0], sizes = [1, 8], strides = [1, 1]} : vector<8x8xf32> to vector<1x8xf32>
    %add3A_166 = vector.broadcast %slice3A_165 : vector<1x8xf32> to vector<512x8xf32>
    %add3A_167 = arith.addf %dot_general3A_120, %add3A_166 : vector<512x8xf32>
    %slice3A_168 = vector.extract_strided_slice %dot_general3A_144 {offsets = [7, 0], sizes = [1, 8], strides = [1, 1]} : vector<8x8xf32> to vector<1x8xf32>
    %add3A_169 = vector.broadcast %slice3A_168 : vector<1x8xf32> to vector<512x8xf32>
    %add3A_170 = arith.addf %dot_general3A_130, %add3A_169 : vector<512x8xf32>
    %concatenate3A_171 = tpu.concatenate %add3A_149, %add3A_152, %add3A_155, %add3A_158, %add3A_161, %add3A_164, %add3A_167, %add3A_170 in 0 : vector<512x8xf32>, vector<512x8xf32>, vector<512x8xf32>, vector<512x8xf32>, vector<512x8xf32>, vector<512x8xf32>, vector<512x8xf32>, vector<512x8xf32> -> vector<4096x8xf32>
    %slice3A_172 = vector.extract_strided_slice %dot_general3A_146 {offsets = [0, 0], sizes = [1, 8], strides = [1, 1]} : vector<8x8xf32> to vector<1x8xf32>
    %add3A_173 = vector.broadcast %slice3A_172 : vector<1x8xf32> to vector<512x8xf32>
    %add3A_174 = arith.addf %dot_general3A_62, %add3A_173 : vector<512x8xf32>
    %slice3A_175 = vector.extract_strided_slice %dot_general3A_146 {offsets = [1, 0], sizes = [1, 8], strides = [1, 1]} : vector<8x8xf32> to vector<1x8xf32>
    %add3A_176 = vector.broadcast %slice3A_175 : vector<1x8xf32> to vector<512x8xf32>
    %add3A_177 = arith.addf %dot_general3A_72, %add3A_176 : vector<512x8xf32>
    %slice3A_178 = vector.extract_strided_slice %dot_general3A_146 {offsets = [2, 0], sizes = [1, 8], strides = [1, 1]} : vector<8x8xf32> to vector<1x8xf32>
    %add3A_179 = vector.broadcast %slice3A_178 : vector<1x8xf32> to vector<512x8xf32>
    %add3A_180 = arith.addf %dot_general3A_82, %add3A_179 : vector<512x8xf32>
    %slice3A_181 = vector.extract_strided_slice %dot_general3A_146 {offsets = [3, 0], sizes = [1, 8], strides = [1, 1]} : vector<8x8xf32> to vector<1x8xf32>
    %add3A_182 = vector.broadcast %slice3A_181 : vector<1x8xf32> to vector<512x8xf32>
    %add3A_183 = arith.addf %dot_general3A_92, %add3A_182 : vector<512x8xf32>
    %slice3A_184 = vector.extract_strided_slice %dot_general3A_146 {offsets = [4, 0], sizes = [1, 8], strides = [1, 1]} : vector<8x8xf32> to vector<1x8xf32>
    %add3A_185 = vector.broadcast %slice3A_184 : vector<1x8xf32> to vector<512x8xf32>
    %add3A_186 = arith.addf %dot_general3A_102, %add3A_185 : vector<512x8xf32>
    %slice3A_187 = vector.extract_strided_slice %dot_general3A_146 {offsets = [5, 0], sizes = [1, 8], strides = [1, 1]} : vector<8x8xf32> to vector<1x8xf32>
    %add3A_188 = vector.broadcast %slice3A_187 : vector<1x8xf32> to vector<512x8xf32>
    %add3A_189 = arith.addf %dot_general3A_112, %add3A_188 : vector<512x8xf32>
    %slice3A_190 = vector.extract_strided_slice %dot_general3A_146 {offsets = [6, 0], sizes = [1, 8], strides = [1, 1]} : vector<8x8xf32> to vector<1x8xf32>
    %add3A_191 = vector.broadcast %slice3A_190 : vector<1x8xf32> to vector<512x8xf32>
    %add3A_192 = arith.addf %dot_general3A_122, %add3A_191 : vector<512x8xf32>
    %slice3A_193 = vector.extract_strided_slice %dot_general3A_146 {offsets = [7, 0], sizes = [1, 8], strides = [1, 1]} : vector<8x8xf32> to vector<1x8xf32>
    %add3A_194 = vector.broadcast %slice3A_193 : vector<1x8xf32> to vector<512x8xf32>
    %add3A_195 = arith.addf %dot_general3A_132, %add3A_194 : vector<512x8xf32>
    %concatenate3A_196 = tpu.concatenate %add3A_174, %add3A_177, %add3A_180, %add3A_183, %add3A_186, %add3A_189, %add3A_192, %add3A_195 in 0 : vector<512x8xf32>, vector<512x8xf32>, vector<512x8xf32>, vector<512x8xf32>, vector<512x8xf32>, vector<512x8xf32>, vector<512x8xf32>, vector<512x8xf32> -> vector<4096x8xf32>
    %reduce_sum3A_197 = arith.constant dense<0.000000e+00> : vector<8xf32>
    %reduce_sum3A_198 = vector.multi_reduction <add>, %concatenate3A, %reduce_sum3A_197 [0] : vector<8x8xf32> to vector<8xf32>
    %broadcast_in_dim3A_199 = vector.shape_cast %reduce_sum3A_198 : vector<8xf32> to vector<1x8xf32>
    %reduce_sum3A_200 = arith.constant dense<0.000000e+00> : vector<8xf32>
    %reduce_sum3A_201 = vector.multi_reduction <add>, %concatenate3A_137, %reduce_sum3A_200 [0] : vector<8x8xf32> to vector<8xf32>
    %broadcast_in_dim3A_202 = vector.shape_cast %reduce_sum3A_201 : vector<8xf32> to vector<1x8xf32>
    %add3A_203 = arith.addf %broadcast_in_dim3A_199, %broadcast_in_dim3A_202 : vector<1x8xf32>
    %div3A_204 = arith.constant 2.560000e+02 : f32
    %div3A_205 = vector.broadcast %div3A_204 : f32 to vector<1x8xf32>
    %div3A_206 = arith.divf %add3A_203, %div3A_205 : vector<1x8xf32>
    %ceil3A = math.ceil %div3A_206 : vector<1x8xf32>
    %iota3A_207 = tpu.iota {dimensions = array<i32: 0>} : vector<8x8xi32>
    %iota3A_208 = tpu.iota {dimensions = array<i32: 1>} : vector<8x8xi32>
    %lt3A_209 = arith.cmpi slt, %iota3A_207, %iota3A_208 : vector<8x8xi32>
    %convert_element_type3A_210 = arith.extui %lt3A_209 : vector<8x8xi1> to vector<8x8xi32>
    %convert_element_type3A_211 = arith.sitofp %convert_element_type3A_210 : vector<8x8xi32> to vector<8x8xf32>
    %dot_general3A_212 = arith.constant dense<0.000000e+00> : vector<1x8xf32>
    %dot_general3A_213 = tpu.matmul %ceil3A, %convert_element_type3A_211, %dot_general3A_212 {dimension_numbers = #tpu.dot_dimension_numbers<[1], [0], [0], [1], [0, 0, 1, 1], [], []>, transpose_lhs_hint = false} : vector<1x8xf32>, vector<8x8xf32>, vector<1x8xf32> -> vector<1x8xf32>
    %mul3A = arith.constant 2.560000e+02 : f32
    %mul3A_214 = vector.broadcast %mul3A : f32 to vector<1x8xf32>
    %mul3A_215 = arith.mulf %mul3A_214, %dot_general3A_213 : vector<1x8xf32>
    %mul3A_216 = arith.mulf %concatenate3A_171, %convert_element_type3A_46 : vector<4096x8xf32>
    %reduce_sum3A_217 = arith.constant dense<0.000000e+00> : vector<4096xf32>
    %reduce_sum3A_218 = vector.multi_reduction <add>, %mul3A_216, %reduce_sum3A_217 [1] : vector<4096x8xf32> to vector<4096xf32>
    %broadcast_in_dim3A_219 = vector.shape_cast %reduce_sum3A_218 : vector<4096xf32> to vector<4096x1xf32>
    %mul3A_220 = vector.broadcast %mul3A_215 : vector<1x8xf32> to vector<4096x8xf32>
    %mul3A_221 = arith.mulf %mul3A_220, %convert_element_type3A_46 : vector<4096x8xf32>
    %reduce_sum3A_222 = arith.constant dense<0.000000e+00> : vector<4096xf32>
    %reduce_sum3A_223 = vector.multi_reduction <add>, %mul3A_221, %reduce_sum3A_222 [1] : vector<4096x8xf32> to vector<4096xf32>
    %broadcast_in_dim3A_224 = vector.shape_cast %reduce_sum3A_223 : vector<4096xf32> to vector<4096x1xf32>
    %add3A_225 = vector.broadcast %broadcast_in_dim3A_199 : vector<1x8xf32> to vector<4096x8xf32>
    %add3A_226 = arith.addf %add3A_225, %concatenate3A_196 : vector<4096x8xf32>
    %mul3A_227 = arith.mulf %add3A_226, %convert_element_type3A_50 : vector<4096x8xf32>
    %reduce_sum3A_228 = arith.constant dense<0.000000e+00> : vector<4096xf32>
    %reduce_sum3A_229 = vector.multi_reduction <add>, %mul3A_227, %reduce_sum3A_228 [1] : vector<4096x8xf32> to vector<4096xf32>
    %broadcast_in_dim3A_230 = vector.shape_cast %reduce_sum3A_229 : vector<4096xf32> to vector<4096x1xf32>
    %mul3A_231 = vector.broadcast %mul3A_215 : vector<1x8xf32> to vector<4096x8xf32>
    %mul3A_232 = arith.mulf %mul3A_231, %convert_element_type3A_50 : vector<4096x8xf32>
    %reduce_sum3A_233 = arith.constant dense<0.000000e+00> : vector<4096xf32>
    %reduce_sum3A_234 = vector.multi_reduction <add>, %mul3A_232, %reduce_sum3A_233 [1] : vector<4096x8xf32> to vector<4096xf32>
    %broadcast_in_dim3A_235 = vector.shape_cast %reduce_sum3A_234 : vector<4096xf32> to vector<4096x1xf32>
    %add3A_236 = arith.addf %broadcast_in_dim3A_224, %broadcast_in_dim3A_219 : vector<4096x1xf32>
    %convert_element_type3A_237 = arith.fptosi %add3A_236 : vector<4096x1xf32> to vector<4096x1xi32>
    %swap3A_238 = arith.constant 0 : index
    %swap3A_239 = arith.constant 0 : index
    %swap3A_240 = vector.load %arg2[%swap3A_238, %swap3A_239] : memref<4096x1xi32, #tpu.memory_space<vmem>>, vector<4096x1xi32>
    tpu.vector_store %arg2[%swap3A_238, %swap3A_239], %convert_element_type3A_237 {strides = array<i32>} : memref<4096x1xi32, #tpu.memory_space<vmem>>, vector<4096x1xi32>,
    %add3A_241 = arith.addf %broadcast_in_dim3A_235, %broadcast_in_dim3A_230 : vector<4096x1xf32>
    %convert_element_type3A_242 = arith.fptosi %add3A_241 : vector<4096x1xf32> to vector<4096x1xi32>
    %swap3A_243 = arith.constant 0 : index
    %swap3A_244 = arith.constant 0 : index
    %swap3A_245 = vector.load %arg3[%swap3A_243, %swap3A_244] : memref<4096x1xi32, #tpu.memory_space<vmem>>, vector<4096x1xi32>
    tpu.vector_store %arg3[%swap3A_243, %swap3A_244], %convert_element_type3A_242 {strides = array<i32>} : memref<4096x1xi32, #tpu.memory_space<vmem>>, vector<4096x1xi32>,
    %swap3A_246 = arith.constant 0 : index
    %swap3A_247 = arith.constant 0 : index
    %swap3A_248 = vector.load %arg4[%swap3A_246, %swap3A_247] : memref<4096x1xf32, #tpu.memory_space<vmem>>, vector<4096x1xf32>
    tpu.vector_store %arg4[%swap3A_246, %swap3A_247], %broadcast_in_dim3A_23 {strides = array<i32>} : memref<4096x1xf32, #tpu.memory_space<vmem>>, vector<4096x1xf32>,
    %swap3A_249 = arith.constant 0 : index
    %swap3A_250 = arith.constant 0 : index
    %swap3A_251 = vector.load %arg5[%swap3A_249, %swap3A_250] : memref<4096x1xf32, #tpu.memory_space<vmem>>, vector<4096x1xf32>
    tpu.vector_store %arg5[%swap3A_249, %swap3A_250], %broadcast_in_dim3A_35 {strides = array<i32>} : memref<4096x1xf32, #tpu.memory_space<vmem>>, vector<4096x1xf32>,
    %le3A = arith.cmpi sle, %iota3A_208, %iota3A_207 : vector<8x8xi32>
    %convert_element_type3A_252 = arith.extui %le3A : vector<8x8xi1> to vector<8x8xi32>
    %convert_element_type3A_253 = arith.sitofp %convert_element_type3A_252 : vector<8x8xi32> to vector<8x8xf32>
    %mul3A_254 = vector.broadcast %ceil3A : vector<1x8xf32> to vector<8x8xf32>
    %mul3A_255 = arith.mulf %convert_element_type3A_253, %mul3A_254 : vector<8x8xf32>
    %reduce_sum3A_256 = arith.constant dense<0.000000e+00> : vector<8xf32>
    %reduce_sum3A_257 = vector.multi_reduction <add>, %mul3A_255, %reduce_sum3A_256 [1] : vector<8x8xf32> to vector<8xf32>
    %broadcast_in_dim3A_258 = vector.shape_cast %reduce_sum3A_257 : vector<8xf32> to vector<8x1xf32>
    %convert_element_type3A_259 = arith.fptosi %broadcast_in_dim3A_258 : vector<8x1xf32> to vector<8x1xi32>
    %iota3A_260 = tpu.iota {dimensions = array<i32: 1>} : vector<8x40xi32>
    %ge3A = vector.broadcast %convert_element_type3A_259 : vector<8x1xi32> to vector<8x40xi32>
    %ge3A_261 = arith.cmpi sge, %iota3A_260, %ge3A : vector<8x40xi32>
    %convert_element_type3A_262 = arith.extui %ge3A_261 : vector<8x40xi1> to vector<8x40xi32>
    %reduce_sum3A_263 = arith.constant dense<0> : vector<40xi32>
    %reduce_sum3A_264 = vector.multi_reduction <add>, %convert_element_type3A_262, %reduce_sum3A_263 [0] : vector<8x40xi32> to vector<40xi32>
    %broadcast_in_dim3A_265 = vector.shape_cast %reduce_sum3A_264 : vector<40xi32> to vector<1x40xi32>
    %swap3A_266 = arith.constant 0 : index
    %swap3A_267 = arith.constant 0 : index
    %swap3A_268 = vector.load %arg6[%swap3A_266, %swap3A_267] : memref<1x40xi32, #tpu.memory_space<vmem>>, vector<1x40xi32>
    tpu.vector_store %arg6[%swap3A_266, %swap3A_267], %broadcast_in_dim3A_265 {strides = array<i32>} : memref<1x40xi32, #tpu.memory_space<vmem>>, vector<1x40xi32>,
    return
  }
}

module attributes {stable_mosaic.version = 14 : i64} {
  func.func @_ffn_kernel(%arg0: i32, %arg1: memref<40xi32, #tpu.memory_space<smem>>, %arg2: memref<256x512xi32, #tpu.memory_space<vmem>>, %arg3: memref<1x1024x1024xf32, #tpu.memory_space<vmem>>, %arg4: memref<1x1024x1024xf32, #tpu.memory_space<vmem>>, %arg5: memref<1x1024x1024xf32, #tpu.memory_space<vmem>>, %arg6: memref<256x512xi32, #tpu.memory_space<vmem>>) attributes {dimension_semantics = [#tpu.dimension_semantics<arbitrary>], iteration_bounds = array<i64: 40>, scalar_prefetch = 1 : i64, scratch_operands = 0 : i64, tpu.core_type = #tpu.core_type<tc>, window_params = [{transform_indices = @transform_0, window_bounds = array<i64: 256, 512>}, {transform_indices = @transform_1, window_bounds = array<i64: 1, 1024, 1024>}, {transform_indices = @transform_2, window_bounds = array<i64: 1, 1024, 1024>}, {transform_indices = @transform_3, window_bounds = array<i64: 1, 1024, 1024>}, {transform_indices = @transform_4, window_bounds = array<i64: 256, 512>}]} {
    %get3A = arith.index_cast %arg0 : i32 to index
    %get3A_0 = memref.load %arg1[%get3A] : memref<40xi32, #tpu.memory_space<smem>>
    %lt3A = arith.constant 8 : i32
    %lt3A_1 = arith.cmpi slt, %get3A_0, %lt3A : i32
    %convert_element_type3A = arith.extui %lt3A_1 : i1 to i32
    %cond3A = arith.constant 0 : i32
    %cond3A_2 = arith.cmpi ne, %convert_element_type3A, %cond3A : i32
    scf.if %cond3A_2 {
      %get3A_3 = arith.constant 0 : index
      %get3A_4 = arith.constant 0 : index
      %get3A_5 = vector.load %arg2[%get3A_3, %get3A_4] : memref<256x512xi32, #tpu.memory_space<vmem>>, vector<256x512xi32>
      %bitcast_convert_type3A = tpu.bitcast %get3A_5 : vector<256x512xi32> -> vector<256x512xi32>
      %shift_left3A = arith.constant 16 : i32
      %shift_left3A_6 = vector.broadcast %shift_left3A : i32 to vector<256x512xi32>
      %shift_left3A_7 = arith.shli %bitcast_convert_type3A, %shift_left3A_6 : vector<256x512xi32>
      %bitcast_convert_type3A_8 = tpu.bitcast %shift_left3A_7 : vector<256x512xi32> -> vector<256x512xf32>
      %and3A = arith.constant -65536 : i32
      %and3A_9 = vector.broadcast %and3A : i32 to vector<256x512xi32>
      %and3A_10 = arith.andi %bitcast_convert_type3A, %and3A_9 : vector<256x512xi32>
      %bitcast_convert_type3A_11 = tpu.bitcast %and3A_10 : vector<256x512xi32> -> vector<256x512xf32>
      %convert_element_type3A_12 = arith.truncf %bitcast_convert_type3A_8 : vector<256x512xf32> to vector<256x512xbf16>
      %convert_element_type3A_13 = arith.truncf %bitcast_convert_type3A_11 : vector<256x512xf32> to vector<256x512xbf16>
      %get3A_14 = arith.constant 0 : index
      %get3A_15 = arith.constant 0 : index
      %get3A_16 = arith.constant 0 : index
      %get3A_17 = vector.load %arg3[%get3A_14, %get3A_15, %get3A_16] : memref<1x1024x1024xf32, #tpu.memory_space<vmem>>, vector<1x1024x1024xf32>
      %get3A_18 = vector.shape_cast %get3A_17 : vector<1x1024x1024xf32> to vector<1024x1024xf32>
      %convert_element_type3A_19 = arith.truncf %get3A_18 : vector<1024x1024xf32> to vector<1024x1024xbf16>
      %get3A_20 = arith.constant 0 : index
      %get3A_21 = arith.constant 0 : index
      %get3A_22 = arith.constant 0 : index
      %get3A_23 = vector.load %arg5[%get3A_20, %get3A_21, %get3A_22] : memref<1x1024x1024xf32, #tpu.memory_space<vmem>>, vector<1x1024x1024xf32>
      %get3A_24 = vector.shape_cast %get3A_23 : vector<1x1024x1024xf32> to vector<1024x1024xf32>
      %convert_element_type3A_25 = arith.truncf %get3A_24 : vector<1024x1024xf32> to vector<1024x1024xbf16>
      %get3A_26 = arith.constant 0 : index
      %get3A_27 = arith.constant 0 : index
      %get3A_28 = arith.constant 0 : index
      %get3A_29 = vector.load %arg4[%get3A_26, %get3A_27, %get3A_28] : memref<1x1024x1024xf32, #tpu.memory_space<vmem>>, vector<1x1024x1024xf32>
      %get3A_30 = vector.shape_cast %get3A_29 : vector<1x1024x1024xf32> to vector<1024x1024xf32>
      %convert_element_type3A_31 = arith.truncf %get3A_30 : vector<1024x1024xf32> to vector<1024x1024xbf16>
      %slice3A = vector.extract_strided_slice %convert_element_type3A_19 {offsets = [0, 0], sizes = [1024, 512], strides = [1, 1]} : vector<1024x1024xbf16> to vector<1024x512xbf16>
      %transpose3A = tpu.transpose %slice3A, [1, 0] : vector<1024x512xbf16> -> vector<512x1024xbf16>
      %dot_general3A = arith.constant dense<0.000000e+00> : vector<256x1024xf32>
      %dot_general3A_32 = tpu.matmul %convert_element_type3A_12, %transpose3A, %dot_general3A {dimension_numbers = #tpu.dot_dimension_numbers<[1], [0], [0], [1], [0, 0, 1, 1], [], []>, transpose_lhs_hint = false} : vector<256x512xbf16>, vector<512x1024xbf16>, vector<256x1024xf32> -> vector<256x1024xf32>
      %slice3A_33 = vector.extract_strided_slice %convert_element_type3A_19 {offsets = [0, 512], sizes = [1024, 512], strides = [1, 1]} : vector<1024x1024xbf16> to vector<1024x512xbf16>
      %transpose3A_34 = tpu.transpose %slice3A_33, [1, 0] : vector<1024x512xbf16> -> vector<512x1024xbf16>
      %dot_general3A_35 = arith.constant dense<0.000000e+00> : vector<256x1024xf32>
      %dot_general3A_36 = tpu.matmul %convert_element_type3A_13, %transpose3A_34, %dot_general3A_35 {dimension_numbers = #tpu.dot_dimension_numbers<[1], [0], [0], [1], [0, 0, 1, 1], [], []>, transpose_lhs_hint = false} : vector<256x512xbf16>, vector<512x1024xbf16>, vector<256x1024xf32> -> vector<256x1024xf32>
      %add3A = arith.addf %dot_general3A_32, %dot_general3A_36 : vector<256x1024xf32>
      %slice3A_37 = vector.extract_strided_slice %convert_element_type3A_25 {offsets = [0, 0], sizes = [1024, 512], strides = [1, 1]} : vector<1024x1024xbf16> to vector<1024x512xbf16>
      %transpose3A_38 = tpu.transpose %slice3A_37, [1, 0] : vector<1024x512xbf16> -> vector<512x1024xbf16>
      %dot_general3A_39 = arith.constant dense<0.000000e+00> : vector<256x1024xf32>
      %dot_general3A_40 = tpu.matmul %convert_element_type3A_12, %transpose3A_38, %dot_general3A_39 {dimension_numbers = #tpu.dot_dimension_numbers<[1], [0], [0], [1], [0, 0, 1, 1], [], []>, transpose_lhs_hint = false} : vector<256x512xbf16>, vector<512x1024xbf16>, vector<256x1024xf32> -> vector<256x1024xf32>
      %slice3A_41 = vector.extract_strided_slice %convert_element_type3A_25 {offsets = [0, 512], sizes = [1024, 512], strides = [1, 1]} : vector<1024x1024xbf16> to vector<1024x512xbf16>
      %transpose3A_42 = tpu.transpose %slice3A_41, [1, 0] : vector<1024x512xbf16> -> vector<512x1024xbf16>
      %dot_general3A_43 = arith.constant dense<0.000000e+00> : vector<256x1024xf32>
      %dot_general3A_44 = tpu.matmul %convert_element_type3A_13, %transpose3A_42, %dot_general3A_43 {dimension_numbers = #tpu.dot_dimension_numbers<[1], [0], [0], [1], [0, 0, 1, 1], [], []>, transpose_lhs_hint = false} : vector<256x512xbf16>, vector<512x1024xbf16>, vector<256x1024xf32> -> vector<256x1024xf32>
      %add3A_45 = arith.addf %dot_general3A_40, %dot_general3A_44 : vector<256x1024xf32>
      %logistic3A = arith.negf %add3A : vector<256x1024xf32>
      %logistic3A_46 = math.exp %logistic3A : vector<256x1024xf32>
      %logistic3A_47 = arith.constant 1.000000e+00 : f32
      %logistic3A_48 = vector.broadcast %logistic3A_47 : f32 to vector<256x1024xf32>
      %logistic3A_49 = arith.addf %logistic3A_48, %logistic3A_46 : vector<256x1024xf32>
      %logistic3A_50 = arith.divf %logistic3A_48, %logistic3A_49 : vector<256x1024xf32>
      %mul3A = arith.mulf %add3A, %logistic3A_50 : vector<256x1024xf32>
      %mul3A_51 = arith.mulf %mul3A, %add3A_45 : vector<256x1024xf32>
      %convert_element_type3A_52 = arith.truncf %mul3A_51 : vector<256x1024xf32> to vector<256x1024xbf16>
      %transpose3A_53 = tpu.transpose %convert_element_type3A_31, [1, 0] : vector<1024x1024xbf16> -> vector<1024x1024xbf16>
      %dot_general3A_54 = arith.constant dense<0.000000e+00> : vector<256x1024xf32>
      %dot_general3A_55 = tpu.matmul %convert_element_type3A_52, %transpose3A_53, %dot_general3A_54 {dimension_numbers = #tpu.dot_dimension_numbers<[1], [0], [0], [1], [0, 0, 1, 1], [], []>, transpose_lhs_hint = false} : vector<256x1024xbf16>, vector<1024x1024xbf16>, vector<256x1024xf32> -> vector<256x1024xf32>
      %bitcast_convert_type3A_56 = tpu.bitcast %dot_general3A_55 : vector<256x1024xf32> -> vector<256x1024xi32>
      %add3A_57 = arith.constant 32768 : i32
      %add3A_58 = vector.broadcast %add3A_57 : i32 to vector<256x1024xi32>
      %add3A_59 = arith.addi %bitcast_convert_type3A_56, %add3A_58 : vector<256x1024xi32>
      %shift_right_logical3A = arith.constant 16 : i32
      %shift_right_logical3A_60 = vector.broadcast %shift_right_logical3A : i32 to vector<256x1024xi32>
      %shift_right_logical3A_61 = arith.shrui %add3A_59, %shift_right_logical3A_60 : vector<256x1024xi32>
      %slice3A_62 = vector.extract_strided_slice %shift_right_logical3A_61 {offsets = [0, 0], sizes = [256, 512], strides = [1, 1]} : vector<256x1024xi32> to vector<256x512xi32>
      %slice3A_63 = vector.extract_strided_slice %shift_right_logical3A_61 {offsets = [0, 512], sizes = [256, 512], strides = [1, 1]} : vector<256x1024xi32> to vector<256x512xi32>
      %shift_left3A_64 = arith.constant 16 : i32
      %shift_left3A_65 = vector.broadcast %shift_left3A_64 : i32 to vector<256x512xi32>
      %shift_left3A_66 = arith.shli %slice3A_63, %shift_left3A_65 : vector<256x512xi32>
      %or3A = arith.ori %shift_left3A_66, %slice3A_62 : vector<256x512xi32>
      %bitcast_convert_type3A_67 = tpu.bitcast %or3A : vector<256x512xi32> -> vector<256x512xi32>
      %swap3A = arith.constant 0 : index
      %swap3A_68 = arith.constant 0 : index
      %swap3A_69 = vector.load %arg6[%swap3A, %swap3A_68] : memref<256x512xi32, #tpu.memory_space<vmem>>, vector<256x512xi32>
      tpu.vector_store %arg6[%swap3A, %swap3A_68], %bitcast_convert_type3A_67 {strides = array<i32>} : memref<256x512xi32, #tpu.memory_space<vmem>>, vector<256x512xi32>,
    } else {
    }
    return
  }
  func.func @transform_0(%arg0: i32, %arg1: memref<40xi32, #tpu.memory_space<smem>>) -> (i32, i32) {
    %c0_i32 = arith.constant 0 : i32
    %c0_i32_0 = arith.constant 0 : i32
    return %arg0, %c0_i32 : i32, i32
  }
  func.func @transform_1(%arg0: i32, %arg1: memref<40xi32, #tpu.memory_space<smem>>) -> (i32, i32, i32) {
    %get3A = arith.index_cast %arg0 : i32 to index
    %get3A_0 = memref.load %arg1[%get3A] : memref<40xi32, #tpu.memory_space<smem>>
    %min3A = arith.constant 7 : i32
    %min3A_1 = arith.minsi %get3A_0, %min3A : i32
    %c0_i32 = arith.constant 0 : i32
    %c0_i32_2 = arith.constant 0 : i32
    %c0_i32_3 = arith.constant 0 : i32
    return %min3A_1, %c0_i32, %c0_i32_2 : i32, i32, i32
  }
  func.func @transform_2(%arg0: i32, %arg1: memref<40xi32, #tpu.memory_space<smem>>) -> (i32, i32, i32) {
    %get3A = arith.index_cast %arg0 : i32 to index
    %get3A_0 = memref.load %arg1[%get3A] : memref<40xi32, #tpu.memory_space<smem>>
    %min3A = arith.constant 7 : i32
    %min3A_1 = arith.minsi %get3A_0, %min3A : i32
    %c0_i32 = arith.constant 0 : i32
    %c0_i32_2 = arith.constant 0 : i32
    %c0_i32_3 = arith.constant 0 : i32
    return %min3A_1, %c0_i32, %c0_i32_2 : i32, i32, i32
  }
  func.func @transform_3(%arg0: i32, %arg1: memref<40xi32, #tpu.memory_space<smem>>) -> (i32, i32, i32) {
    %get3A = arith.index_cast %arg0 : i32 to index
    %get3A_0 = memref.load %arg1[%get3A] : memref<40xi32, #tpu.memory_space<smem>>
    %min3A = arith.constant 7 : i32
    %min3A_1 = arith.minsi %get3A_0, %min3A : i32
    %c0_i32 = arith.constant 0 : i32
    %c0_i32_2 = arith.constant 0 : i32
    %c0_i32_3 = arith.constant 0 : i32
    return %min3A_1, %c0_i32, %c0_i32_2 : i32, i32, i32
  }
  func.func @transform_4(%arg0: i32, %arg1: memref<40xi32, #tpu.memory_space<smem>>) -> (i32, i32) {
    %c0_i32 = arith.constant 0 : i32
    %c0_i32_0 = arith.constant 0 : i32
    return %arg0, %c0_i32 : i32, i32
  }
}

module attributes {stable_mosaic.version = 14 : i64} {
  func.func @_shared_kernel(%arg0: i32, %arg1: memref<256x512xi32, #tpu.memory_space<vmem>>, %arg2: memref<1024x1024xf32, #tpu.memory_space<vmem>>, %arg3: memref<1024x1024xf32, #tpu.memory_space<vmem>>, %arg4: memref<1024x1024xf32, #tpu.memory_space<vmem>>, %arg5: memref<256x512xi32, #tpu.memory_space<vmem>>) attributes {dimension_semantics = [#tpu.dimension_semantics<arbitrary>], iteration_bounds = array<i64: 16>, scalar_prefetch = 0 : i64, scratch_operands = 0 : i64, tpu.core_type = #tpu.core_type<tc>, window_params = [{transform_indices = @transform_0, window_bounds = array<i64: 256, 512>}, {pipeline_mode = #tpu.pipeline_mode<synchronous>, transform_indices = @transform_1, window_bounds = array<i64: 1024, 1024>}, {pipeline_mode = #tpu.pipeline_mode<synchronous>, transform_indices = @transform_2, window_bounds = array<i64: 1024, 1024>}, {pipeline_mode = #tpu.pipeline_mode<synchronous>, transform_indices = @transform_3, window_bounds = array<i64: 1024, 1024>}, {transform_indices = @transform_4, window_bounds = array<i64: 256, 512>}]} {
    %get3A = arith.constant 0 : index
    %get3A_0 = arith.constant 0 : index
    %get3A_1 = vector.load %arg1[%get3A, %get3A_0] : memref<256x512xi32, #tpu.memory_space<vmem>>, vector<256x512xi32>
    %bitcast_convert_type3A = tpu.bitcast %get3A_1 : vector<256x512xi32> -> vector<256x512xi32>
    %shift_left3A = arith.constant 16 : i32
    %shift_left3A_2 = vector.broadcast %shift_left3A : i32 to vector<256x512xi32>
    %shift_left3A_3 = arith.shli %bitcast_convert_type3A, %shift_left3A_2 : vector<256x512xi32>
    %bitcast_convert_type3A_4 = tpu.bitcast %shift_left3A_3 : vector<256x512xi32> -> vector<256x512xf32>
    %and3A = arith.constant -65536 : i32
    %and3A_5 = vector.broadcast %and3A : i32 to vector<256x512xi32>
    %and3A_6 = arith.andi %bitcast_convert_type3A, %and3A_5 : vector<256x512xi32>
    %bitcast_convert_type3A_7 = tpu.bitcast %and3A_6 : vector<256x512xi32> -> vector<256x512xf32>
    %convert_element_type3A = arith.truncf %bitcast_convert_type3A_4 : vector<256x512xf32> to vector<256x512xbf16>
    %convert_element_type3A_8 = arith.truncf %bitcast_convert_type3A_7 : vector<256x512xf32> to vector<256x512xbf16>
    %get3A_9 = arith.constant 0 : index
    %get3A_10 = arith.constant 0 : index
    %get3A_11 = vector.load %arg2[%get3A_9, %get3A_10] : memref<1024x1024xf32, #tpu.memory_space<vmem>>, vector<1024x1024xf32>
    %convert_element_type3A_12 = arith.truncf %get3A_11 : vector<1024x1024xf32> to vector<1024x1024xbf16>
    %get3A_13 = arith.constant 0 : index
    %get3A_14 = arith.constant 0 : index
    %get3A_15 = vector.load %arg4[%get3A_13, %get3A_14] : memref<1024x1024xf32, #tpu.memory_space<vmem>>, vector<1024x1024xf32>
    %convert_element_type3A_16 = arith.truncf %get3A_15 : vector<1024x1024xf32> to vector<1024x1024xbf16>
    %get3A_17 = arith.constant 0 : index
    %get3A_18 = arith.constant 0 : index
    %get3A_19 = vector.load %arg3[%get3A_17, %get3A_18] : memref<1024x1024xf32, #tpu.memory_space<vmem>>, vector<1024x1024xf32>
    %convert_element_type3A_20 = arith.truncf %get3A_19 : vector<1024x1024xf32> to vector<1024x1024xbf16>
    %slice3A = vector.extract_strided_slice %convert_element_type3A_12 {offsets = [0, 0], sizes = [1024, 512], strides = [1, 1]} : vector<1024x1024xbf16> to vector<1024x512xbf16>
    %transpose3A = tpu.transpose %slice3A, [1, 0] : vector<1024x512xbf16> -> vector<512x1024xbf16>
    %dot_general3A = arith.constant dense<0.000000e+00> : vector<256x1024xf32>
    %dot_general3A_21 = tpu.matmul %convert_element_type3A, %transpose3A, %dot_general3A {dimension_numbers = #tpu.dot_dimension_numbers<[1], [0], [0], [1], [0, 0, 1, 1], [], []>, transpose_lhs_hint = false} : vector<256x512xbf16>, vector<512x1024xbf16>, vector<256x1024xf32> -> vector<256x1024xf32>
    %slice3A_22 = vector.extract_strided_slice %convert_element_type3A_12 {offsets = [0, 512], sizes = [1024, 512], strides = [1, 1]} : vector<1024x1024xbf16> to vector<1024x512xbf16>
    %transpose3A_23 = tpu.transpose %slice3A_22, [1, 0] : vector<1024x512xbf16> -> vector<512x1024xbf16>
    %dot_general3A_24 = arith.constant dense<0.000000e+00> : vector<256x1024xf32>
    %dot_general3A_25 = tpu.matmul %convert_element_type3A_8, %transpose3A_23, %dot_general3A_24 {dimension_numbers = #tpu.dot_dimension_numbers<[1], [0], [0], [1], [0, 0, 1, 1], [], []>, transpose_lhs_hint = false} : vector<256x512xbf16>, vector<512x1024xbf16>, vector<256x1024xf32> -> vector<256x1024xf32>
    %add3A = arith.addf %dot_general3A_21, %dot_general3A_25 : vector<256x1024xf32>
    %slice3A_26 = vector.extract_strided_slice %convert_element_type3A_16 {offsets = [0, 0], sizes = [1024, 512], strides = [1, 1]} : vector<1024x1024xbf16> to vector<1024x512xbf16>
    %transpose3A_27 = tpu.transpose %slice3A_26, [1, 0] : vector<1024x512xbf16> -> vector<512x1024xbf16>
    %dot_general3A_28 = arith.constant dense<0.000000e+00> : vector<256x1024xf32>
    %dot_general3A_29 = tpu.matmul %convert_element_type3A, %transpose3A_27, %dot_general3A_28 {dimension_numbers = #tpu.dot_dimension_numbers<[1], [0], [0], [1], [0, 0, 1, 1], [], []>, transpose_lhs_hint = false} : vector<256x512xbf16>, vector<512x1024xbf16>, vector<256x1024xf32> -> vector<256x1024xf32>
    %slice3A_30 = vector.extract_strided_slice %convert_element_type3A_16 {offsets = [0, 512], sizes = [1024, 512], strides = [1, 1]} : vector<1024x1024xbf16> to vector<1024x512xbf16>
    %transpose3A_31 = tpu.transpose %slice3A_30, [1, 0] : vector<1024x512xbf16> -> vector<512x1024xbf16>
    %dot_general3A_32 = arith.constant dense<0.000000e+00> : vector<256x1024xf32>
    %dot_general3A_33 = tpu.matmul %convert_element_type3A_8, %transpose3A_31, %dot_general3A_32 {dimension_numbers = #tpu.dot_dimension_numbers<[1], [0], [0], [1], [0, 0, 1, 1], [], []>, transpose_lhs_hint = false} : vector<256x512xbf16>, vector<512x1024xbf16>, vector<256x1024xf32> -> vector<256x1024xf32>
    %add3A_34 = arith.addf %dot_general3A_29, %dot_general3A_33 : vector<256x1024xf32>
    %logistic3A = arith.negf %add3A : vector<256x1024xf32>
    %logistic3A_35 = math.exp %logistic3A : vector<256x1024xf32>
    %logistic3A_36 = arith.constant 1.000000e+00 : f32
    %logistic3A_37 = vector.broadcast %logistic3A_36 : f32 to vector<256x1024xf32>
    %logistic3A_38 = arith.addf %logistic3A_37, %logistic3A_35 : vector<256x1024xf32>
    %logistic3A_39 = arith.divf %logistic3A_37, %logistic3A_38 : vector<256x1024xf32>
    %mul3A = arith.mulf %add3A, %logistic3A_39 : vector<256x1024xf32>
    %mul3A_40 = arith.mulf %mul3A, %add3A_34 : vector<256x1024xf32>
    %convert_element_type3A_41 = arith.truncf %mul3A_40 : vector<256x1024xf32> to vector<256x1024xbf16>
    %transpose3A_42 = tpu.transpose %convert_element_type3A_20, [1, 0] : vector<1024x1024xbf16> -> vector<1024x1024xbf16>
    %dot_general3A_43 = arith.constant dense<0.000000e+00> : vector<256x1024xf32>
    %dot_general3A_44 = tpu.matmul %convert_element_type3A_41, %transpose3A_42, %dot_general3A_43 {dimension_numbers = #tpu.dot_dimension_numbers<[1], [0], [0], [1], [0, 0, 1, 1], [], []>, transpose_lhs_hint = false} : vector<256x1024xbf16>, vector<1024x1024xbf16>, vector<256x1024xf32> -> vector<256x1024xf32>
    %bitcast_convert_type3A_45 = tpu.bitcast %dot_general3A_44 : vector<256x1024xf32> -> vector<256x1024xi32>
    %add3A_46 = arith.constant 32768 : i32
    %add3A_47 = vector.broadcast %add3A_46 : i32 to vector<256x1024xi32>
    %add3A_48 = arith.addi %bitcast_convert_type3A_45, %add3A_47 : vector<256x1024xi32>
    %shift_right_logical3A = arith.constant 16 : i32
    %shift_right_logical3A_49 = vector.broadcast %shift_right_logical3A : i32 to vector<256x1024xi32>
    %shift_right_logical3A_50 = arith.shrui %add3A_48, %shift_right_logical3A_49 : vector<256x1024xi32>
    %slice3A_51 = vector.extract_strided_slice %shift_right_logical3A_50 {offsets = [0, 0], sizes = [256, 512], strides = [1, 1]} : vector<256x1024xi32> to vector<256x512xi32>
    %slice3A_52 = vector.extract_strided_slice %shift_right_logical3A_50 {offsets = [0, 512], sizes = [256, 512], strides = [1, 1]} : vector<256x1024xi32> to vector<256x512xi32>
    %shift_left3A_53 = arith.constant 16 : i32
    %shift_left3A_54 = vector.broadcast %shift_left3A_53 : i32 to vector<256x512xi32>
    %shift_left3A_55 = arith.shli %slice3A_52, %shift_left3A_54 : vector<256x512xi32>
    %or3A = arith.ori %shift_left3A_55, %slice3A_51 : vector<256x512xi32>
    %bitcast_convert_type3A_56 = tpu.bitcast %or3A : vector<256x512xi32> -> vector<256x512xi32>
    %swap3A = arith.constant 0 : index
    %swap3A_57 = arith.constant 0 : index
    %swap3A_58 = vector.load %arg5[%swap3A, %swap3A_57] : memref<256x512xi32, #tpu.memory_space<vmem>>, vector<256x512xi32>
    tpu.vector_store %arg5[%swap3A, %swap3A_57], %bitcast_convert_type3A_56 {strides = array<i32>} : memref<256x512xi32, #tpu.memory_space<vmem>>, vector<256x512xi32>,
    return
  }
  func.func @transform_0(%arg0: i32) -> (i32, i32) {
    %c0_i32 = arith.constant 0 : i32
    %c0_i32_0 = arith.constant 0 : i32
    return %arg0, %c0_i32 : i32, i32
  }
  func.func @transform_1(%arg0: i32) -> (i32, i32) {
    %c0_i32 = arith.constant 0 : i32
    %c0_i32_0 = arith.constant 0 : i32
    %c0_i32_1 = arith.constant 0 : i32
    return %c0_i32, %c0_i32_0 : i32, i32
  }
  func.func @transform_2(%arg0: i32) -> (i32, i32) {
    %c0_i32 = arith.constant 0 : i32
    %c0_i32_0 = arith.constant 0 : i32
    %c0_i32_1 = arith.constant 0 : i32
    return %c0_i32, %c0_i32_0 : i32, i32
  }
  func.func @transform_3(%arg0: i32) -> (i32, i32) {
    %c0_i32 = arith.constant 0 : i32
    %c0_i32_0 = arith.constant 0 : i32
    %c0_i32_1 = arith.constant 0 : i32
    return %c0_i32, %c0_i32_0 : i32, i32
  }
  func.func @transform_4(%arg0: i32) -> (i32, i32) {
    %c0_i32 = arith.constant 0 : i32
    %c0_i32_0 = arith.constant 0 : i32
    return %arg0, %c0_i32 : i32, i32
  }
}

module attributes {stable_mosaic.version = 14 : i64} {
  func.func @_combine_kernel(%arg0: i32, %arg1: memref<256x512xi32, #tpu.memory_space<vmem>>, %arg2: memref<256x512xi32, #tpu.memory_space<vmem>>, %arg3: memref<256x512xi32, #tpu.memory_space<vmem>>, %arg4: memref<256x1xf32, #tpu.memory_space<vmem>>, %arg5: memref<256x1xf32, #tpu.memory_space<vmem>>, %arg6: memref<256x1024xf32, #tpu.memory_space<vmem>>) attributes {dimension_semantics = [#tpu.dimension_semantics<arbitrary>], iteration_bounds = array<i64: 16>, scalar_prefetch = 0 : i64, scratch_operands = 0 : i64, tpu.core_type = #tpu.core_type<tc>, window_params = [{transform_indices = @transform_0, window_bounds = array<i64: 256, 512>}, {transform_indices = @transform_1, window_bounds = array<i64: 256, 512>}, {transform_indices = @transform_2, window_bounds = array<i64: 256, 512>}, {transform_indices = @transform_3, window_bounds = array<i64: 256, 1>}, {transform_indices = @transform_4, window_bounds = array<i64: 256, 1>}, {transform_indices = @transform_5, window_bounds = array<i64: 256, 1024>}]} {
    %get3A = arith.constant 0 : index
    %get3A_0 = arith.constant 0 : index
    %get3A_1 = vector.load %arg4[%get3A, %get3A_0] : memref<256x1xf32, #tpu.memory_space<vmem>>, vector<256x1xf32>
    %get3A_2 = arith.constant 0 : index
    %get3A_3 = arith.constant 0 : index
    %get3A_4 = vector.load %arg5[%get3A_2, %get3A_3] : memref<256x1xf32, #tpu.memory_space<vmem>>, vector<256x1xf32>
    %get3A_5 = arith.constant 0 : index
    %get3A_6 = arith.constant 0 : index
    %get3A_7 = vector.load %arg1[%get3A_5, %get3A_6] : memref<256x512xi32, #tpu.memory_space<vmem>>, vector<256x512xi32>
    %bitcast_convert_type3A = tpu.bitcast %get3A_7 : vector<256x512xi32> -> vector<256x512xi32>
    %shift_left3A = arith.constant 16 : i32
    %shift_left3A_8 = vector.broadcast %shift_left3A : i32 to vector<256x512xi32>
    %shift_left3A_9 = arith.shli %bitcast_convert_type3A, %shift_left3A_8 : vector<256x512xi32>
    %bitcast_convert_type3A_10 = tpu.bitcast %shift_left3A_9 : vector<256x512xi32> -> vector<256x512xf32>
    %and3A = arith.constant -65536 : i32
    %and3A_11 = vector.broadcast %and3A : i32 to vector<256x512xi32>
    %and3A_12 = arith.andi %bitcast_convert_type3A, %and3A_11 : vector<256x512xi32>
    %bitcast_convert_type3A_13 = tpu.bitcast %and3A_12 : vector<256x512xi32> -> vector<256x512xf32>
    %get3A_14 = arith.constant 0 : index
    %get3A_15 = arith.constant 0 : index
    %get3A_16 = vector.load %arg2[%get3A_14, %get3A_15] : memref<256x512xi32, #tpu.memory_space<vmem>>, vector<256x512xi32>
    %bitcast_convert_type3A_17 = tpu.bitcast %get3A_16 : vector<256x512xi32> -> vector<256x512xi32>
    %shift_left3A_18 = arith.constant 16 : i32
    %shift_left3A_19 = vector.broadcast %shift_left3A_18 : i32 to vector<256x512xi32>
    %shift_left3A_20 = arith.shli %bitcast_convert_type3A_17, %shift_left3A_19 : vector<256x512xi32>
    %bitcast_convert_type3A_21 = tpu.bitcast %shift_left3A_20 : vector<256x512xi32> -> vector<256x512xf32>
    %and3A_22 = arith.constant -65536 : i32
    %and3A_23 = vector.broadcast %and3A_22 : i32 to vector<256x512xi32>
    %and3A_24 = arith.andi %bitcast_convert_type3A_17, %and3A_23 : vector<256x512xi32>
    %bitcast_convert_type3A_25 = tpu.bitcast %and3A_24 : vector<256x512xi32> -> vector<256x512xf32>
    %get3A_26 = arith.constant 0 : index
    %get3A_27 = arith.constant 0 : index
    %get3A_28 = vector.load %arg3[%get3A_26, %get3A_27] : memref<256x512xi32, #tpu.memory_space<vmem>>, vector<256x512xi32>
    %bitcast_convert_type3A_29 = tpu.bitcast %get3A_28 : vector<256x512xi32> -> vector<256x512xi32>
    %shift_left3A_30 = arith.constant 16 : i32
    %shift_left3A_31 = vector.broadcast %shift_left3A_30 : i32 to vector<256x512xi32>
    %shift_left3A_32 = arith.shli %bitcast_convert_type3A_29, %shift_left3A_31 : vector<256x512xi32>
    %bitcast_convert_type3A_33 = tpu.bitcast %shift_left3A_32 : vector<256x512xi32> -> vector<256x512xf32>
    %and3A_34 = arith.constant -65536 : i32
    %and3A_35 = vector.broadcast %and3A_34 : i32 to vector<256x512xi32>
    %and3A_36 = arith.andi %bitcast_convert_type3A_29, %and3A_35 : vector<256x512xi32>
    %bitcast_convert_type3A_37 = tpu.bitcast %and3A_36 : vector<256x512xi32> -> vector<256x512xf32>
    %mul3A = vector.broadcast %get3A_1 : vector<256x1xf32> to vector<256x512xf32>
    %mul3A_38 = arith.mulf %mul3A, %bitcast_convert_type3A_21 : vector<256x512xf32>
    %mul3A_39 = vector.broadcast %get3A_4 : vector<256x1xf32> to vector<256x512xf32>
    %mul3A_40 = arith.mulf %mul3A_39, %bitcast_convert_type3A_33 : vector<256x512xf32>
    %add3A = arith.addf %mul3A_38, %mul3A_40 : vector<256x512xf32>
    %add3A_41 = arith.addf %add3A, %bitcast_convert_type3A_10 : vector<256x512xf32>
    %swap3A = arith.constant 0 : index
    %swap3A_42 = arith.constant 0 : index
    %swap3A_43 = vector.load %arg6[%swap3A, %swap3A_42] : memref<256x1024xf32, #tpu.memory_space<vmem>>, vector<256x512xf32>
    tpu.vector_store %arg6[%swap3A, %swap3A_42], %add3A_41 {strides = array<i32>} : memref<256x1024xf32, #tpu.memory_space<vmem>>, vector<256x512xf32>,
    %mul3A_44 = vector.broadcast %get3A_1 : vector<256x1xf32> to vector<256x512xf32>
    %mul3A_45 = arith.mulf %mul3A_44, %bitcast_convert_type3A_25 : vector<256x512xf32>
    %mul3A_46 = vector.broadcast %get3A_4 : vector<256x1xf32> to vector<256x512xf32>
    %mul3A_47 = arith.mulf %mul3A_46, %bitcast_convert_type3A_37 : vector<256x512xf32>
    %add3A_48 = arith.addf %mul3A_45, %mul3A_47 : vector<256x512xf32>
    %add3A_49 = arith.addf %add3A_48, %bitcast_convert_type3A_13 : vector<256x512xf32>
    %swap3A_50 = arith.constant 0 : index
    %swap3A_51 = arith.constant 512 : index
    %swap3A_52 = vector.load %arg6[%swap3A_50, %swap3A_51] : memref<256x1024xf32, #tpu.memory_space<vmem>>, vector<256x512xf32>
    tpu.vector_store %arg6[%swap3A_50, %swap3A_51], %add3A_49 {strides = array<i32>} : memref<256x1024xf32, #tpu.memory_space<vmem>>, vector<256x512xf32>,
    return
  }
  func.func @transform_0(%arg0: i32) -> (i32, i32) {
    %c0_i32 = arith.constant 0 : i32
    %c0_i32_0 = arith.constant 0 : i32
    return %arg0, %c0_i32 : i32, i32
  }
  func.func @transform_1(%arg0: i32) -> (i32, i32) {
    %c0_i32 = arith.constant 0 : i32
    %c0_i32_0 = arith.constant 0 : i32
    return %arg0, %c0_i32 : i32, i32
  }
  func.func @transform_2(%arg0: i32) -> (i32, i32) {
    %c0_i32 = arith.constant 0 : i32
    %c0_i32_0 = arith.constant 0 : i32
    return %arg0, %c0_i32 : i32, i32
  }
  func.func @transform_3(%arg0: i32) -> (i32, i32) {
    %c0_i32 = arith.constant 0 : i32
    %c0_i32_0 = arith.constant 0 : i32
    return %arg0, %c0_i32 : i32, i32
  }
  func.func @transform_4(%arg0: i32) -> (i32, i32) {
    %c0_i32 = arith.constant 0 : i32
    %c0_i32_0 = arith.constant 0 : i32
    return %arg0, %c0_i32 : i32, i32
  }
  func.func @transform_5(%arg0: i32) -> (i32, i32) {
    %c0_i32 = arith.constant 0 : i32
    %c0_i32_0 = arith.constant 0 : i32
    return %arg0, %c0_i32 : i32, i32
  }
}

</mosaic_0001>

<sc_bundles>
// kernel: kernel.11.cloned.1.call-start
scs
__scs_entry_jumppad:
0x0: {  	(pc) =	sbr.rel $0x88, $3  }
0x1: {  	(tag) =	ssettag $0x0;
	lr =	simm.s32 $0x1  }
0x2: {  	[smem:$0x3F99] =	sst lr;
	_ =	strace $0xD0000000  }
0x3: {  	_ = 	snop  }
0x4: {  	_ = 	snop  }
0x5: {  	_ = 	snop  }
0x6: {  	_ = 	snop  }
0x7: {  	_ = 	snop  }
__scs_overlays_trampoline_lowered:
0x8: {  	[smem:$0x3FA8] =	sst s0  }
0x9: {  	[smem:$0x3FA9] =	sst s1  }
0xa: {  	[smem:$0x3FAA] =	sst s2  }
0xb: {  	[smem:$0x3FAB] =	sst s3  }
0xc: {  	[smem:$0x3FAC] =	sst s4  }
0xd: {  	[smem:$0x3FAD] =	sst s5  }
0xe: {  	[smem:$0x3FAE] =	sst s6  }
0xf: {  	[smem:$0x3FAF] =	sst s7  }
0x10: {  	[smem:$0x3FB0] =	sst s8  }
0x11: {  	[smem:$0x3FB1] =	sst s9;
	s0 =	simm.s32 @!p0 $0x0  }
0x12: {  	s1 =	sld [smem:$0x3F97];
	s0 =	simm.s32 @p0 $0x1  }
0x13: {  	[smem:$0x3FB2] =	sst s0;
	s0 =	simm.s32 @!p1 $0x0  }
0x14: {  	s2 =	sld [smem:$0x3F96];
	s0 =	simm.s32 @p1 $0x1  }
0x15: {  	[smem:$0x3FB3] =	sst s0;
	s0 =	simm.s32 @!p2 $0x0  }
0x16: {  	s3 =	sld [smem:$0x3FDB];
	s0 =	simm.s32 @p2 $0x1  }
0x17: {  	s4 =	simm.s32 $0x1BF5;
	[smem:$0x3FB5] =	sst s0  }
0x18: {  	s0 =	sld [smem:$0x3F98];
	_ =	swait.ge [sflag:s4], $0x0  }
0x19: {  	s7 =	sld [smem:$0x3F99]  }
0x1a: {  	s8 =	sadd.s32 $0xFFFFE003, lr  }
0x1b: {  	s9 =	sadd.s32 $0xFFFFFEF7, lr;
	s5 =	simm.s32 $0xFFFFFFFF;
	p2 =	slt.u32 s8, $0xFFFFF086  }
0x1c: {  	p1 =	slt.u32 s9, $0xF7A;
	s5 =	simm.s32 @!p2 $0x0  }
0x1d: {  	s5 =	simm.s32 @p1 $0x1;
	p0 =	seq.s32 s7, s2  }
0x1e: {  	s7 =	smul.u32 @!p0 $0xF7A, s2;
	p2 =	seq.s32 @!p0 s5, $0x0  }
0x1f: {  	s9 =	smul.u32 $0xF7A, s1;
	s8 =	simm.s32 @!p0 $0x1BF5;
	p2 =	por !p2, p0  }
0x20: {  	[sflag:s8] =	ssyncset.s32 @!p0 $0xFFFFF086;
	s6 =	sadd.s32 @!p0 s3, s7;
	s7 =	simm.s32 @!p0 $0x108  }
0x21: {  	s3 =	sadd.s32 s3, s9;
	s6 =	sadd.s32 @!p0 $0x88, s6;
	s7 =	simm.s32 @p2 $0x1082  }
0x22: {  	[simem:s7], [sflag:s8] =	dma.local @!p0 [hbm:s6], $0xF7A  }
0x23: {  	s9 =	sor.u32 $0xD0000000, s2;
	s6 =	simm.s32 $0x108;
	_ =	swait.ge @!p0 [sflag:s8], $0x0  }
0x24: {  	s3 =	sadd.s32 $0x88, s3;
	s6 =	simm.s32 @!p1 $0x1082;
	[sflag:s4] =	ssyncset.s32 $0xFFFFF086  }
0x25: {  	[simem:s6], [sflag:s4] =	dma.local [hbm:s3], $0xF7A  }
0x26: {  	[smem:$0x3F99] =	sst s1;
	(tag) =	ssettag s2;
	_ =	strace s9  }
0x27: {  	s1 =	sld [smem:$0x3FA9]  }
0x28: {  	s2 =	sld [smem:$0x3FAA]  }
0x29: {  	s4 =	sld [smem:$0x3FAC]  }
0x2a: {  	p0 =	seq.s32 s5, $0x0;
	s5 =	sld [smem:$0x3FAD]  }
0x2b: {  	s6 =	sld [smem:$0x3FAE]  }
0x2c: {  	s7 =	sld [smem:$0x3FAF]  }
0x2d: {  	s3 =	simm.s32 $0x108;
	s8 =	sld [smem:$0x3FB0]  }
0x2e: {  	s3 =	simm.s32 @!p0 $0x1082;
	s9 =	sld [smem:$0x3FB1]  }
0x2f: {  	lr =	sadd.s32 s0, s3;
	s0 =	sld [smem:$0x3FA8]  }
0x30: {  	s3 =	sld [smem:$0x3FAB]  }
0x31: {  	[smem:$0x3FB4] =	sst s10  }
0x32: {  	s10 =	sld [smem:$0x3FB2];
	_ =	sdelay $0x3  }
0x33: {  	p0 =	seq.s32 s10, $0x1;
	s10 =	sld [smem:$0x3FB4];
	_ =	sdelay $0x3  }
0x34: {  	[smem:$0x3FB4] =	sst s10  }
0x35: {  	s10 =	sld [smem:$0x3FB3];
	_ =	sdelay $0x3  }
0x36: {  	p1 =	seq.s32 s10, $0x1;
	s10 =	sld [smem:$0x3FB4];
	_ =	sdelay $0x3  }
0x37: {  	[smem:$0x3FB4] =	sst s10  }
0x38: {  	s10 =	sld [smem:$0x3FB5]  }
0x39: {  	_ = 	snop;
	(pc) =	sbr.ind lr, $3  }
0x3a: {  	_ = 	snop  }
0x3b: {  	_ = 	snop  }
0x3c: {  	p2 =	seq.s32 s10, $0x1;
	s10 =	sld [smem:$0x3FB4]  }
0x3d: {  	_ =	shalt  }
0x3e: {  	_ =	shalt  }
0x3f: {  	_ =	shalt  }
0x40: {  	_ =	shalt  }
0x41: {  	_ =	shalt  }
0x42: {  	_ =	shalt  }
0x43: {  	_ =	shalt  }
0x44: {  	_ =	shalt  }
0x45: {  	_ =	shalt  }
0x46: {  	_ =	shalt  }
0x47: {  	_ =	shalt  }
0x48: {  	_ =	shalt  }
0x49: {  	_ =	shalt  }
0x4a: {  	_ =	shalt  }
0x4b: {  	_ =	shalt  }
0x4c: {  	_ =	shalt  }
0x4d: {  	_ =	shalt  }
0x4e: {  	_ =	shalt  }
0x4f: {  	_ =	shalt  }
0x50: {  	_ =	shalt  }
0x51: {  	_ =	shalt  }
0x52: {  	_ =	shalt  }
0x53: {  	_ =	shalt  }
0x54: {  	_ =	shalt  }
0x55: {  	_ =	shalt  }
0x56: {  	_ =	shalt  }
0x57: {  	_ =	shalt  }
0x58: {  	_ =	shalt  }
0x59: {  	_ =	shalt  }
0x5a: {  	_ =	shalt  }
0x5b: {  	_ =	shalt  }
0x5c: {  	_ =	shalt  }
0x5d: {  	_ =	shalt  }
0x5e: {  	_ =	shalt  }
0x5f: {  	_ =	shalt  }
0x60: {  	_ =	shalt  }
0x61: {  	_ =	shalt  }
0x62: {  	_ =	shalt  }
0x63: {  	_ =	shalt  }
0x64: {  	_ =	shalt  }
0x65: {  	_ =	shalt  }
0x66: {  	_ =	shalt  }
0x67: {  	_ =	shalt  }
0x68: {  	_ =	shalt  }
0x69: {  	_ =	shalt  }
0x6a: {  	_ =	shalt  }
0x6b: {  	_ =	shalt  }
0x6c: {  	_ =	shalt  }
0x6d: {  	_ =	shalt  }
0x6e: {  	_ =	shalt  }
0x6f: {  	_ =	shalt  }
0x70: {  	_ =	shalt  }
0x71: {  	_ =	shalt  }
0x72: {  	_ =	shalt  }
0x73: {  	_ =	shalt  }
0x74: {  	_ =	shalt  }
0x75: {  	_ =	shalt  }
0x76: {  	_ =	shalt  }
0x77: {  	_ =	shalt  }
0x78: {  	_ =	shalt  }
0x79: {  	_ =	shalt  }
0x7a: {  	_ =	shalt  }
0x7b: {  	_ =	shalt  }
0x7c: {  	_ =	shalt  }
0x7d: {  	_ =	shalt  }
0x7e: {  	_ =	shalt  }
0x7f: {  	_ =	shalt  }
0x80: {  	_ =	shalt  }
0x81: {  	_ =	shalt  }
0x82: {  	_ =	shalt  }
0x83: {  	_ =	shalt  }
0x84: {  	_ =	shalt  }
0x85: {  	_ =	shalt  }
0x86: {  	_ =	shalt  }
0x87: {  	_ =	shalt  }
.Lfunc_end0:
.L_simem_size_0:
called_computation.1_lowered:
.L_overlay_start_0:
0x88: {  	s2 =	sld [smem:$0x3FD9]  }
0x89: {  	s3 =	sld [smem:$0x3FFE];
	_ =	sdelay $0x1  }
0x8a: {  	s1 =	srdreg.scid  }
0x8b: {  	s0 =	sand.u32 $0x1, s1  }
0x8c: {  	s16 =	sshll.u32 s0, $0xA;
	s2 =	sadd.s32 s3, s2  }
0x8d: {  	s2 =	sadd.s32 s2, s16  }
0x8e: {  	[smem:$0x3FC0] =	sst s2  }
0x8f: {  	_ = 	snop  }
0x90: {  	(tm) =	ssettm $0x1  }
0x91: {  	s17 =	sld [smem:$0x3FFB];
	_ =	sdelay $0x3  }
0x92: {  	_ =	strace s17  }
0x93: {  	s2 =	sld [smem:$0x3FFC];
	_ =	sdelay $0x3  }
0x94: {  	_ =	strace s2  }
0x95: {  	s2 =	sld [smem:$0x3FFD];
	_ =	sdelay $0x3  }
0x96: {  	_ =	strace s2  }
0x97: {  	_ =	strace $0x8FFFFFFF  }
0x98: {  	s18 =	sld [smem:$0x3FDB];
	_ =	sdelay $0x1  }
0x99: {  	s19 =	simm.s32 $_scs_section_size  }
0x9a: {  	s4 =	simm.s32 $_size__tile_overlayer_lowered;
	s5 =	simm.s32 $_tile_overlayer_lowered  }
0x9b: {  	s22 =	simm.s32 $0x1BFF;
	s21 =	sshll.u32 s5, $0x1;
	s2 =	sadd.s32 s19, s18  }
0x9c: {  	s6 =	simm.s32 $0x0;
	s20 =	sshll.u32 s4, $0x1;
	s4 =	sadd.s32 s21, s2  }
0x9d: {  	[timem:s6], [sflag:s22] =	dma.local [hbm:s4], s20  }
0x9e: {  	_ =	swait.ge [sflag:s22], s20  }
0x9f: {  	s3 =	ssub.s32 $0x0, s20;
	[sflag:s22] =	ssyncset.done $0x0  }
0xa0: {  	[sflag:s22] =	ssyncadd.s32 s3;
	_ =	sdelay $0x1  }
0xa1: {  	s23 =	simm.s32 $0x1B8B  }
0xa2: {  	_ =	swait.ge [sflag:s23], $0x1  }
0xa3: {  	[sflag:s23] =	ssyncset.done $0x0  }
0xa4: {  	s25 =	simm.s32 $0x1B8E;
	s24 =	sld [smem:$0x3FFE];
	[sflag:s23] =	ssyncadd.s32 $0xFFFFFFFF  }
0xa5: {  	s26 =	simm.s32 $execute0_lowered;
	[smem:$0x3FD2] =	sst s25  }
0xa6: {  	s4 =	sshll.u32 s26, $0x1;
	_ =	strace $0x80000049;
	[dreg:$0x1] =	wrdreg $0xFFFFFFFF  }
0xa7: {  	s28 =	simm.s32 $_size_execute0_lowered;
	s2 =	sadd.s32 s2, s4;
	[dreg:$0x0] =	wrdreg $0x0  }
0xa8: {  	s4 =	sshll.u32 s28, $0x1;
	[dreg:$0x2] =	wrdreg s2  }
0xa9: {  	[dreg:$0x3] =	wrdreg s4  }
0xaa: {  	[dreg:$0x4] =	wrdreg $0xC0  }
0xab: {  	_ =	task [dreg:s6], $0x5FFFF  }
0xac: {  	[dreg:$0x1] =	wrdreg $0xFFFFFFFF  }
0xad: {  	[dreg:$0x0] =	wrdreg $0x60  }
0xae: {  	[dreg:$0x2] =	wrdreg s24  }
0xaf: {  	[dreg:$0x3] =	wrdreg $0x9  }
0xb0: {  	_ =	task.clear_ibuf [dreg:s6], $0x4FFFF;
	_ =	strace $0x90000049  }
0xb1: {  	s29 =	simm.s32 $0x9;
	_ =	strace $0x8000004B  }
0xb2: {  	_ =	swait.ge [sflag:s29], $0x1  }
0xb3: {  	[sflag:s29] =	ssyncadd.s32 $0xFFFFFFFF  }
0xb4: {  	_ =	strace $0x9000004B  }
0xb5: {  	_ =	sfence  }
0xb6: {  	s30 =	sld [smem:$0x0];
	_ =	sdelay $0x2  }
0xb7: {  	s31 =	sshll.u32 s1, $0xD;
	s1 =	sshrl.u32 s1, $0x2  }
0xb8: {  	s3 =	sand.u32 $0x4000, s31;
	s1 =	sadd.s32 s1, s30  }
0xb9: {  	s0 =	sor.u32 s3, s0;
	s1 =	sshll.u32 s1, $0x11  }
0xba: {  	s0 =	sor.u32 s1, s0  }
0xbb: {  	s0 =	sadd.s32 $0x8F2B, s0  }
0xbc: {  	[sflag:s0] =	ssyncadd.remote.s32 $0x1  }
0xbd: {  	_ =	sfence.sel $0xFFFF  }
0xbe: {  	[dreg:$0x0] =	wrdreg $0xFFFFFFFF;
	(pc) =	sbr.abs _section_cstart, $3  }
0xbf: {  	[dreg:$0x1] =	wrdreg $0xFFFFFFFF  }
0xc0: {  	_ =	task.clear_ibuf [dreg:s6], $0x2FFFF;
	_ =	strace $0x9FFFFFFF  }
0xc1: {  	(tm) =	ssettm $0x7FFFFFFF  }
tec
execute0_lowered:
.L_overlay_start_1:
0x0: {  	(tag) =	ssettag $0x1  }
0x1: {  	s0 =	rddreg [dreg:$0x0]  }
0x2: {  	s1 =	srdreg.scid;
	s3 =	stileid.u32  }
0x3: {  	s2 =	simm.s32 $0x0;
	s26 =	simm.s32 $0x100;
	s15 =	simm.s32 $0x2  }
0x4: {  	s18 =	simm.s32 $0x1200;
	s19 =	simm.s32 $0x1A00;
	s20 =	simm.s32 $0x2200  }
0x5: {  	s28 =	simm.s32 $0x5200;
	s29 =	simm.s32 $0x5A00;
	s30 =	simm.s32 $0x6200  }
0x6: {  	s31 =	simm.s32 $0x6A00;
	s10 =	simm.s32 $0x9A00;
	s11 =	simm.s32 $0xA200  }
0x7: {  	s12 =	simm.s32 $0xAA00;
	s13 =	simm.s32 $0xB200;
	s1 =	sand.u32 $0x1, s1  }
0x8: {  	s3 =	sshll.u32 s3, $0x1;
	[smem:$0x7FF] =	sst s2;
	s6 =	sadd.s32 $0xA1A00, s0  }
0x9: {  	s7 =	sadd.s32 $0xE1A00, s0;
	s4 =	sor.u32 s1, s3;
	_ =	strace $0x8000004A  }
0xa: {  	s3 =	sadd.s32 $0x1A00, s0;
	s1 =	ssub.s32 $0x2, s1;
	[dreg:$0x8] =	wrdreg s26  }
0xb: {  	s26 =	simm.s32 $0x4A00;
	s5 =	sshll.u32 s4, $0x5;
	s4 =	sshll.u32 s4, $0xD  }
0xc: {  	s21 =	sshrl.u32 s1, $0x1;
	s5 =	sadd.s32 s5, s0;
	s22 =	sadd.s32 s6, s4  }
0xd: {  	s23 =	sadd.s32 s7, s4;
	s9 =	sor.u32 $0x1000, s4;
	s1 =	ssub.s32 s1, s21  }
0xe: {  	s4 =	sadd.s32 $0x1B00, s0;
	s21 =	simm.s32 $0x2A00;
	[dreg:$0x4] =	wrdreg s22  }
0xf: {  	s8 =	sadd.s32 $0x1600, s5;
	s5 =	sadd.s32 $0x1200, s5;
	[dreg:$0x5] =	wrdreg s23  }
0x10: {  	s24 =	sadd.s32 s6, s9;
	s25 =	sadd.s32 s7, s9;
	[dreg:$0x2] =	wrdreg s8  }
0x11: {  	s6 =	simm.s32 $0x3;
	s22 =	simm.s32 $0x3200;
	[dreg:$0x3] =	wrdreg s5  }
0x12: {  	v2 =	vlaneseq.u32;
	s23 =	simm.s32 $0x7200;
	s9 =	simm.s32 $0x9200;
	[dreg:$0x6] =	wrdreg s24  }
0x13: {  	vm0 =	vmmov $0xffff;
	v1 =	vshrl.u32 v2, $0x3;
	[dreg:$0x7] =	wrdreg s25;
	s5 =	smax.u32 s1, $0x1;
	s1 =	simm.s32 $0x1  }
0x14: {  	v0 =	vand.u32 $0x7, v2;
	v2 =	vor.u32 $0x8, v2;
	v1 =	vmul.u32 $0x8, v1;
	s24 =	simm.s32 $0x3A00;
	s25 =	simm.s32 $0x4200;
	s8 =	simm.s32 $0x8A00  }
.LBB2_1:
0x15: {  	s16 =	rddreg [dreg:$0x2]  }
0x16: {  	[tilespmem:s2], [sflag:$0x3] =	stream.linear.gather [hbm4b:s16+s2], $0x100, $0x38;
	[tilespmem:$0x10200] =	vst v63  }
0x17: {  	_ =	swait.ge [sflag:s6], $0x100  }
0x18: {  	s7 =	rddreg [dreg:$0x3];
	[sflag:s6] =	ssyncset.done $0x0  }
0x19: {  	s17 =	rddreg [dreg:$0x8];
	[sflag:s6] =	ssyncadd.s32 $0xFFFFFF00  }
0x1a: {  	[tilespmem:s17], [sflag:$0x3] =	stream.linear.gather [hbm4b:s7+s2], $0x100, $0x38;
	[tilespmem:$0x10200] =	vst v63  }
0x1b: {  	_ =	swait.ge [sflag:s6], $0x100  }
0x1c: {  	[sflag:s6] =	ssyncset.done $0x0  }
0x1d: {  	[sflag:s6] =	ssyncadd.s32 $0xFFFFFF00  }
0x1e: {  	v3 =	vld [tilespmem:$0x0];
	_ =	sdelay $0x4  }
0x1f: {  	v4 =	vshll.u32 v3, $0x2  }
0x20: {  	v3 =	vand.u32 $0x7, v3;
	v4 =	vand.u32 $0xFFFFFFE0, v4  }
0x21: {  	v3 =	vor.u32 v3, v4  }
0x22: {  	v4 =	vperm.xlane v3, v0;
	_ =	sdelay $0x1  }
0x23: {  	v4 =	vadd.s32 v1, v4;
	_ =	sdelay $0x1  }
0x24: {  	v3 =	vperm.xlane v3, v2;
	_ =	sdelay $0x1  }
0x25: {  	s0 =	simm.s32 $0x200;
	v3 =	vadd.s32 v1, v3  }
0x26: {  	[tilespmem:s0], [sflag:$0x1] =	stream.indirect_vreg.gather [hbm4b:s3+s2], $0x80, v4, vm0, $0xb8;
	[tilespmem:$0x10200] =	vst v63  }
0x27: {  	s17 =	simm.s32 $0xA00  }
0x28: {  	[tilespmem:s17], [sflag:$0x1] =	stream.indirect_vreg.gather [hbm4b:s4+s2], $0x80, v4, vm0, $0xb8;
	[tilespmem:$0x10200] =	vst v63  }
0x29: {  	_ = 	snop  }
0x2a: {  	[tilespmem:s18], [sflag:$0x1] =	stream.indirect_vreg.gather [hbm4b:s3+s2], $0x80, v3, vm0, $0xb8;
	[tilespmem:$0x10200] =	vst v63  }
0x2b: {  	_ = 	snop  }
0x2c: {  	[tilespmem:s19], [sflag:$0x1] =	stream.indirect_vreg.gather [hbm4b:s4+s2], $0x80, v3, vm0, $0xb8;
	[tilespmem:$0x10200] =	vst v63  }
0x2d: {  	v3 =	vld [tilespmem:$0x10];
	_ =	sdelay $0x4  }
0x2e: {  	v49 =	vshll.u32 v3, $0x2  }
0x2f: {  	v3 =	vand.u32 $0x7, v3;
	v4 =	vand.u32 $0xFFFFFFE0, v49  }
0x30: {  	v3 =	vor.u32 v3, v4  }
0x31: {  	v4 =	vperm.xlane v3, v0;
	_ =	sdelay $0x1  }
0x32: {  	v4 =	vadd.s32 v1, v4;
	_ =	sdelay $0x1  }
0x33: {  	v3 =	vperm.xlane v3, v2;
	_ =	sdelay $0x1  }
0x34: {  	v3 =	vadd.s32 v1, v3  }
0x35: {  	[tilespmem:s20], [sflag:$0x1] =	stream.indirect_vreg.gather [hbm4b:s3+s2], $0x80, v4, vm0, $0xb8;
	[tilespmem:$0x10200] =	vst v63  }
0x36: {  	_ = 	snop  }
0x37: {  	[tilespmem:s21], [sflag:$0x1] =	stream.indirect_vreg.gather [hbm4b:s4+s2], $0x80, v4, vm0, $0xb8;
	[tilespmem:$0x10200] =	vst v63  }
0x38: {  	_ = 	snop  }
0x39: {  	[tilespmem:s22], [sflag:$0x1] =	stream.indirect_vreg.gather [hbm4b:s3+s2], $0x80, v3, vm0, $0xb8;
	[tilespmem:$0x10200] =	vst v63  }
0x3a: {  	_ = 	snop  }
0x3b: {  	[tilespmem:s24], [sflag:$0x1] =	stream.indirect_vreg.gather [hbm4b:s4+s2], $0x80, v3, vm0, $0xb8;
	[tilespmem:$0x10200] =	vst v63  }
0x3c: {  	v3 =	vld [tilespmem:$0x20];
	_ =	sdelay $0x4  }
0x3d: {  	v50 =	vshll.u32 v3, $0x2  }
0x3e: {  	v3 =	vand.u32 $0x7, v3;
	v4 =	vand.u32 $0xFFFFFFE0, v50  }
0x3f: {  	v3 =	vor.u32 v3, v4  }
0x40: {  	v4 =	vperm.xlane v3, v0;
	_ =	sdelay $0x1  }
0x41: {  	v4 =	vadd.s32 v1, v4;
	_ =	sdelay $0x1  }
0x42: {  	v3 =	vperm.xlane v3, v2;
	_ =	sdelay $0x1  }
0x43: {  	v3 =	vadd.s32 v1, v3  }
0x44: {  	[tilespmem:s25], [sflag:$0x1] =	stream.indirect_vreg.gather [hbm4b:s3+s2], $0x80, v4, vm0, $0xb8;
	[tilespmem:$0x10200] =	vst v63  }
0x45: {  	_ = 	snop  }
0x46: {  	[tilespmem:s26], [sflag:$0x1] =	stream.indirect_vreg.gather [hbm4b:s4+s2], $0x80, v4, vm0, $0xb8;
	[tilespmem:$0x10200] =	vst v63  }
0x47: {  	_ = 	snop  }
0x48: {  	[tilespmem:s28], [sflag:$0x1] =	stream.indirect_vreg.gather [hbm4b:s3+s2], $0x80, v3, vm0, $0xb8;
	[tilespmem:$0x10200] =	vst v63  }
0x49: {  	_ = 	snop  }
0x4a: {  	[tilespmem:s29], [sflag:$0x1] =	stream.indirect_vreg.gather [hbm4b:s4+s2], $0x80, v3, vm0, $0xb8;
	[tilespmem:$0x10200] =	vst v63  }
0x4b: {  	v3 =	vld [tilespmem:$0x30];
	_ =	sdelay $0x4  }
0x4c: {  	v51 =	vshll.u32 v3, $0x2  }
0x4d: {  	v3 =	vand.u32 $0x7, v3;
	v4 =	vand.u32 $0xFFFFFFE0, v51  }
0x4e: {  	v3 =	vor.u32 v3, v4  }
0x4f: {  	v4 =	vperm.xlane v3, v0;
	_ =	sdelay $0x1  }
0x50: {  	v4 =	vadd.s32 v1, v4;
	_ =	sdelay $0x1  }
0x51: {  	v3 =	vperm.xlane v3, v2;
	_ =	sdelay $0x1  }
0x52: {  	v3 =	vadd.s32 v1, v3  }
0x53: {  	[tilespmem:s30], [sflag:$0x1] =	stream.indirect_vreg.gather [hbm4b:s3+s2], $0x80, v4, vm0, $0xb8;
	[tilespmem:$0x10200] =	vst v63  }
0x54: {  	_ = 	snop  }
0x55: {  	[tilespmem:s31], [sflag:$0x1] =	stream.indirect_vreg.gather [hbm4b:s4+s2], $0x80, v4, vm0, $0xb8;
	[tilespmem:$0x10200] =	vst v63  }
0x56: {  	_ = 	snop  }
0x57: {  	[tilespmem:s23], [sflag:$0x1] =	stream.indirect_vreg.gather [hbm4b:s3+s2], $0x80, v3, vm0, $0xb8;
	[tilespmem:$0x10200] =	vst v63  }
0x58: {  	s14 =	simm.s32 $0x7A00  }
0x59: {  	[tilespmem:s14], [sflag:$0x1] =	stream.indirect_vreg.gather [hbm4b:s4+s2], $0x80, v3, vm0, $0xb8;
	[tilespmem:$0x10200] =	vst v63  }
0x5a: {  	v3 =	vld [tilespmem:$0x100];
	_ =	sdelay $0x4  }
0x5b: {  	v52 =	vshll.u32 v3, $0x2  }
0x5c: {  	v3 =	vand.u32 $0x7, v3;
	v4 =	vand.u32 $0xFFFFFFE0, v52  }
0x5d: {  	v3 =	vor.u32 v3, v4  }
0x5e: {  	v4 =	vperm.xlane v3, v0;
	_ =	sdelay $0x1  }
0x5f: {  	v4 =	vadd.s32 v1, v4;
	_ =	sdelay $0x1  }
0x60: {  	v3 =	vperm.xlane v3, v2;
	_ =	sdelay $0x1  }
0x61: {  	s0 =	simm.s32 $0x8200;
	v3 =	vadd.s32 v1, v3  }
0x62: {  	[tilespmem:s0], [sflag:$0x2] =	stream.indirect_vreg.gather [hbm4b:s3+s2], $0x80, v4, vm0, $0xb8;
	[tilespmem:$0x10200] =	vst v63  }
0x63: {  	_ = 	snop  }
0x64: {  	[tilespmem:s8], [sflag:$0x2] =	stream.indirect_vreg.gather [hbm4b:s4+s2], $0x80, v4, vm0, $0xb8;
	[tilespmem:$0x10200] =	vst v63  }
0x65: {  	_ = 	snop  }
0x66: {  	[tilespmem:s9], [sflag:$0x2] =	stream.indirect_vreg.gather [hbm4b:s3+s2], $0x80, v3, vm0, $0xb8;
	[tilespmem:$0x10200] =	vst v63  }
0x67: {  	_ = 	snop  }
0x68: {  	[tilespmem:s10], [sflag:$0x2] =	stream.indirect_vreg.gather [hbm4b:s4+s2], $0x80, v3, vm0, $0xb8;
	[tilespmem:$0x10200] =	vst v63  }
0x69: {  	v3 =	vld [tilespmem:$0x110];
	_ =	sdelay $0x4  }
0x6a: {  	v53 =	vshll.u32 v3, $0x2  }
0x6b: {  	v3 =	vand.u32 $0x7, v3;
	v4 =	vand.u32 $0xFFFFFFE0, v53  }
0x6c: {  	v3 =	vor.u32 v3, v4  }
0x6d: {  	v4 =	vperm.xlane v3, v0;
	_ =	sdelay $0x1  }
0x6e: {  	v4 =	vadd.s32 v1, v4;
	_ =	sdelay $0x1  }
0x6f: {  	v3 =	vperm.xlane v3, v2;
	_ =	sdelay $0x1  }
0x70: {  	v3 =	vadd.s32 v1, v3  }
0x71: {  	[tilespmem:s11], [sflag:$0x2] =	stream.indirect_vreg.gather [hbm4b:s3+s2], $0x80, v4, vm0, $0xb8;
	[tilespmem:$0x10200] =	vst v63  }
0x72: {  	_ = 	snop  }
0x73: {  	[tilespmem:s12], [sflag:$0x2] =	stream.indirect_vreg.gather [hbm4b:s4+s2], $0x80, v4, vm0, $0xb8;
	[tilespmem:$0x10200] =	vst v63  }
0x74: {  	_ = 	snop  }
0x75: {  	[tilespmem:s13], [sflag:$0x2] =	stream.indirect_vreg.gather [hbm4b:s3+s2], $0x80, v3, vm0, $0xb8;
	[tilespmem:$0x10200] =	vst v63  }
0x76: {  	s7 =	simm.s32 $0xBA00  }
0x77: {  	[tilespmem:s7], [sflag:$0x2] =	stream.indirect_vreg.gather [hbm4b:s4+s2], $0x80, v3, vm0, $0xb8;
	[tilespmem:$0x10200] =	vst v63  }
0x78: {  	v3 =	vld [tilespmem:$0x120];
	_ =	sdelay $0x4  }
0x79: {  	v54 =	vshll.u32 v3, $0x2  }
0x7a: {  	v3 =	vand.u32 $0x7, v3;
	v4 =	vand.u32 $0xFFFFFFE0, v54  }
0x7b: {  	v3 =	vor.u32 v3, v4  }
0x7c: {  	v4 =	vperm.xlane v3, v0;
	_ =	sdelay $0x1  }
0x7d: {  	v4 =	vadd.s32 v1, v4;
	_ =	sdelay $0x1  }
0x7e: {  	v3 =	vperm.xlane v3, v2;
	_ =	sdelay $0x1  }
0x7f: {  	s14 =	simm.s32 $0xC200;
	v3 =	vadd.s32 v1, v3  }
0x80: {  	[tilespmem:s14], [sflag:$0x2] =	stream.indirect_vreg.gather [hbm4b:s3+s2], $0x80, v4, vm0, $0xb8;
	[tilespmem:$0x10200] =	vst v63  }
0x81: {  	s16 =	simm.s32 $0xCA00  }
0x82: {  	[tilespmem:s16], [sflag:$0x2] =	stream.indirect_vreg.gather [hbm4b:s4+s2], $0x80, v4, vm0, $0xb8;
	[tilespmem:$0x10200] =	vst v63  }
0x83: {  	s16 =	simm.s32 $0xD200  }
0x84: {  	[tilespmem:s16], [sflag:$0x2] =	stream.indirect_vreg.gather [hbm4b:s3+s2], $0x80, v3, vm0, $0xb8;
	[tilespmem:$0x10200] =	vst v63  }
0x85: {  	s16 =	simm.s32 $0xDA00  }
0x86: {  	[tilespmem:s16], [sflag:$0x2] =	stream.indirect_vreg.gather [hbm4b:s4+s2], $0x80, v3, vm0, $0xb8;
	[tilespmem:$0x10200] =	vst v63  }
0x87: {  	v3 =	vld [tilespmem:$0x130];
	_ =	sdelay $0x4  }
0x88: {  	v55 =	vshll.u32 v3, $0x2  }
0x89: {  	v3 =	vand.u32 $0x7, v3;
	v4 =	vand.u32 $0xFFFFFFE0, v55  }
0x8a: {  	v3 =	vor.u32 v3, v4  }
0x8b: {  	v4 =	vperm.xlane v3, v0;
	_ =	sdelay $0x1  }
0x8c: {  	v4 =	vadd.s32 v1, v4;
	_ =	sdelay $0x1  }
0x8d: {  	v3 =	vperm.xlane v3, v2;
	_ =	sdelay $0x1  }
0x8e: {  	s16 =	simm.s32 $0xE200;
	v3 =	vadd.s32 v1, v3  }
0x8f: {  	[tilespmem:s16], [sflag:$0x2] =	stream.indirect_vreg.gather [hbm4b:s3+s2], $0x80, v4, vm0, $0xb8;
	[tilespmem:$0x10200] =	vst v63  }
0x90: {  	s16 =	simm.s32 $0xEA00  }
0x91: {  	[tilespmem:s16], [sflag:$0x2] =	stream.indirect_vreg.gather [hbm4b:s4+s2], $0x80, v4, vm0, $0xb8;
	[tilespmem:$0x10200] =	vst v63  }
0x92: {  	s16 =	simm.s32 $0xF200  }
0x93: {  	[tilespmem:s16], [sflag:$0x2] =	stream.indirect_vreg.gather [hbm4b:s3+s2], $0x80, v3, vm0, $0xb8;
	[tilespmem:$0x10200] =	vst v63  }
0x94: {  	s16 =	simm.s32 $0xFA00  }
0x95: {  	[tilespmem:s16], [sflag:$0x2] =	stream.indirect_vreg.gather [hbm4b:s4+s2], $0x80, v3, vm0, $0xb8;
	[tilespmem:$0x10200] =	vst v63  }
0x96: {  	_ =	swait.ge [sflag:s1], $0x8000  }
0x97: {  	[sflag:s1] =	ssyncset.done $0x0  }
0x98: {  	[sflag:s1] =	ssyncadd.s32 $0xFFFF8000  }
0x99: {  	_ =	swait.ge [sflag:s15], $0x8000  }
0x9a: {  	[sflag:s15] =	ssyncset.done $0x0  }
0x9b: {  	s14 =	simm.s32 $0x200;
	s16 =	rddreg [dreg:$0x4];
	[sflag:s15] =	ssyncadd.s32 $0xFFFF8000  }
0x9c: {  	[hbm4b:s16+s2] =	stream.linear.scatter [tilespmem:s14], [sflag:$0x3], $0x8000, $0x38;
	[tilespmem:$0x10200] =	vst v63  }
0x9d: {  	_ =	swait.ge [sflag:s6], $0x8000  }
0x9e: {  	[sflag:s6] =	ssyncset.done $0x0  }
0x9f: {  	s16 =	rddreg [dreg:$0x5];
	[sflag:s6] =	ssyncadd.s32 $0xFFFF8000  }
0xa0: {  	[hbm4b:s16+s2] =	stream.linear.scatter [tilespmem:s0], [sflag:$0x3], $0x8000, $0x38;
	[tilespmem:$0x10200] =	vst v63  }
0xa1: {  	_ =	swait.ge [sflag:s6], $0x8000  }
0xa2: {  	[sflag:s6] =	ssyncset.done $0x0  }
0xa3: {  	[sflag:s6] =	ssyncadd.s32 $0xFFFF8000  }
0xa4: {  	v3 =	vld [tilespmem:$0x80];
	_ =	sdelay $0x4  }
0xa5: {  	v56 =	vshll.u32 v3, $0x2  }
0xa6: {  	v3 =	vand.u32 $0x7, v3;
	v4 =	vand.u32 $0xFFFFFFE0, v56  }
0xa7: {  	v3 =	vor.u32 v3, v4  }
0xa8: {  	v4 =	vperm.xlane v3, v0;
	_ =	sdelay $0x1  }
0xa9: {  	v4 =	vadd.s32 v1, v4;
	_ =	sdelay $0x1  }
0xaa: {  	v3 =	vperm.xlane v3, v2;
	_ =	sdelay $0x1  }
0xab: {  	v3 =	vadd.s32 v1, v3  }
0xac: {  	[tilespmem:s14], [sflag:$0x1] =	stream.indirect_vreg.gather [hbm4b:s3+s2], $0x80, v4, vm0, $0xb8;
	[tilespmem:$0x10200] =	vst v63  }
0xad: {  	_ = 	snop  }
0xae: {  	[tilespmem:s17], [sflag:$0x1] =	stream.indirect_vreg.gather [hbm4b:s4+s2], $0x80, v4, vm0, $0xb8;
	[tilespmem:$0x10200] =	vst v63  }
0xaf: {  	_ = 	snop  }
0xb0: {  	[tilespmem:s18], [sflag:$0x1] =	stream.indirect_vreg.gather [hbm4b:s3+s2], $0x80, v3, vm0, $0xb8;
	[tilespmem:$0x10200] =	vst v63  }
0xb1: {  	_ = 	snop  }
0xb2: {  	[tilespmem:s19], [sflag:$0x1] =	stream.indirect_vreg.gather [hbm4b:s4+s2], $0x80, v3, vm0, $0xb8;
	[tilespmem:$0x10200] =	vst v63  }
0xb3: {  	v3 =	vld [tilespmem:$0x90];
	_ =	sdelay $0x4  }
0xb4: {  	v57 =	vshll.u32 v3, $0x2  }
0xb5: {  	v3 =	vand.u32 $0x7, v3;
	v4 =	vand.u32 $0xFFFFFFE0, v57  }
0xb6: {  	v3 =	vor.u32 v3, v4  }
0xb7: {  	v4 =	vperm.xlane v3, v0;
	_ =	sdelay $0x1  }
0xb8: {  	v4 =	vadd.s32 v1, v4;
	_ =	sdelay $0x1  }
0xb9: {  	v3 =	vperm.xlane v3, v2;
	_ =	sdelay $0x1  }
0xba: {  	v3 =	vadd.s32 v1, v3  }
0xbb: {  	[tilespmem:s20], [sflag:$0x1] =	stream.indirect_vreg.gather [hbm4b:s3+s2], $0x80, v4, vm0, $0xb8;
	[tilespmem:$0x10200] =	vst v63  }
0xbc: {  	_ = 	snop  }
0xbd: {  	[tilespmem:s21], [sflag:$0x1] =	stream.indirect_vreg.gather [hbm4b:s4+s2], $0x80, v4, vm0, $0xb8;
	[tilespmem:$0x10200] =	vst v63  }
0xbe: {  	_ = 	snop  }
0xbf: {  	[tilespmem:s22], [sflag:$0x1] =	stream.indirect_vreg.gather [hbm4b:s3+s2], $0x80, v3, vm0, $0xb8;
	[tilespmem:$0x10200] =	vst v63  }
0xc0: {  	_ = 	snop  }
0xc1: {  	[tilespmem:s24], [sflag:$0x1] =	stream.indirect_vreg.gather [hbm4b:s4+s2], $0x80, v3, vm0, $0xb8;
	[tilespmem:$0x10200] =	vst v63  }
0xc2: {  	v3 =	vld [tilespmem:$0xA0];
	_ =	sdelay $0x4  }
0xc3: {  	v58 =	vshll.u32 v3, $0x2  }
0xc4: {  	v3 =	vand.u32 $0x7, v3;
	v4 =	vand.u32 $0xFFFFFFE0, v58  }
0xc5: {  	v3 =	vor.u32 v3, v4  }
0xc6: {  	v4 =	vperm.xlane v3, v0;
	_ =	sdelay $0x1  }
0xc7: {  	v4 =	vadd.s32 v1, v4;
	_ =	sdelay $0x1  }
0xc8: {  	v3 =	vperm.xlane v3, v2;
	_ =	sdelay $0x1  }
0xc9: {  	v3 =	vadd.s32 v1, v3  }
0xca: {  	[tilespmem:s25], [sflag:$0x1] =	stream.indirect_vreg.gather [hbm4b:s3+s2], $0x80, v4, vm0, $0xb8;
	[tilespmem:$0x10200] =	vst v63  }
0xcb: {  	_ = 	snop  }
0xcc: {  	[tilespmem:s26], [sflag:$0x1] =	stream.indirect_vreg.gather [hbm4b:s4+s2], $0x80, v4, vm0, $0xb8;
	[tilespmem:$0x10200] =	vst v63  }
0xcd: {  	_ = 	snop  }
0xce: {  	[tilespmem:s28], [sflag:$0x1] =	stream.indirect_vreg.gather [hbm4b:s3+s2], $0x80, v3, vm0, $0xb8;
	[tilespmem:$0x10200] =	vst v63  }
0xcf: {  	_ = 	snop  }
0xd0: {  	[tilespmem:s29], [sflag:$0x1] =	stream.indirect_vreg.gather [hbm4b:s4+s2], $0x80, v3, vm0, $0xb8;
	[tilespmem:$0x10200] =	vst v63  }
0xd1: {  	v3 =	vld [tilespmem:$0xB0];
	_ =	sdelay $0x4  }
0xd2: {  	v59 =	vshll.u32 v3, $0x2  }
0xd3: {  	v3 =	vand.u32 $0x7, v3;
	v4 =	vand.u32 $0xFFFFFFE0, v59  }
0xd4: {  	v3 =	vor.u32 v3, v4  }
0xd5: {  	v4 =	vperm.xlane v3, v0;
	_ =	sdelay $0x1  }
0xd6: {  	v4 =	vadd.s32 v1, v4;
	_ =	sdelay $0x1  }
0xd7: {  	v3 =	vperm.xlane v3, v2;
	_ =	sdelay $0x1  }
0xd8: {  	v3 =	vadd.s32 v1, v3  }
0xd9: {  	[tilespmem:s30], [sflag:$0x1] =	stream.indirect_vreg.gather [hbm4b:s3+s2], $0x80, v4, vm0, $0xb8;
	[tilespmem:$0x10200] =	vst v63  }
0xda: {  	_ = 	snop  }
0xdb: {  	[tilespmem:s31], [sflag:$0x1] =	stream.indirect_vreg.gather [hbm4b:s4+s2], $0x80, v4, vm0, $0xb8;
	[tilespmem:$0x10200] =	vst v63  }
0xdc: {  	_ = 	snop  }
0xdd: {  	[tilespmem:s23], [sflag:$0x1] =	stream.indirect_vreg.gather [hbm4b:s3+s2], $0x80, v3, vm0, $0xb8;
	[tilespmem:$0x10200] =	vst v63  }
0xde: {  	s17 =	simm.s32 $0x7A00  }
0xdf: {  	[tilespmem:s17], [sflag:$0x1] =	stream.indirect_vreg.gather [hbm4b:s4+s2], $0x80, v3, vm0, $0xb8;
	[tilespmem:$0x10200] =	vst v63  }
0xe0: {  	v3 =	vld [tilespmem:$0x180];
	_ =	sdelay $0x4  }
0xe1: {  	v60 =	vshll.u32 v3, $0x2  }
0xe2: {  	v3 =	vand.u32 $0x7, v3;
	v4 =	vand.u32 $0xFFFFFFE0, v60  }
0xe3: {  	v3 =	vor.u32 v3, v4  }
0xe4: {  	v4 =	vperm.xlane v3, v0;
	_ =	sdelay $0x1  }
0xe5: {  	v4 =	vadd.s32 v1, v4;
	_ =	sdelay $0x1  }
0xe6: {  	v3 =	vperm.xlane v3, v2;
	_ =	sdelay $0x1  }
0xe7: {  	v3 =	vadd.s32 v1, v3  }
0xe8: {  	[tilespmem:s0], [sflag:$0x2] =	stream.indirect_vreg.gather [hbm4b:s3+s2], $0x80, v4, vm0, $0xb8;
	[tilespmem:$0x10200] =	vst v63  }
0xe9: {  	_ = 	snop  }
0xea: {  	[tilespmem:s8], [sflag:$0x2] =	stream.indirect_vreg.gather [hbm4b:s4+s2], $0x80, v4, vm0, $0xb8;
	[tilespmem:$0x10200] =	vst v63  }
0xeb: {  	_ = 	snop  }
0xec: {  	[tilespmem:s9], [sflag:$0x2] =	stream.indirect_vreg.gather [hbm4b:s3+s2], $0x80, v3, vm0, $0xb8;
	[tilespmem:$0x10200] =	vst v63  }
0xed: {  	_ = 	snop  }
0xee: {  	[tilespmem:s10], [sflag:$0x2] =	stream.indirect_vreg.gather [hbm4b:s4+s2], $0x80, v3, vm0, $0xb8;
	[tilespmem:$0x10200] =	vst v63  }
0xef: {  	v3 =	vld [tilespmem:$0x190];
	_ =	sdelay $0x4  }
0xf0: {  	v61 =	vshll.u32 v3, $0x2  }
0xf1: {  	v3 =	vand.u32 $0x7, v3;
	v4 =	vand.u32 $0xFFFFFFE0, v61  }
0xf2: {  	v3 =	vor.u32 v3, v4  }
0xf3: {  	v4 =	vperm.xlane v3, v0;
	_ =	sdelay $0x1  }
0xf4: {  	v4 =	vadd.s32 v1, v4;
	_ =	sdelay $0x1  }
0xf5: {  	v3 =	vperm.xlane v3, v2;
	_ =	sdelay $0x1  }
0xf6: {  	v3 =	vadd.s32 v1, v3  }
0xf7: {  	[tilespmem:s11], [sflag:$0x2] =	stream.indirect_vreg.gather [hbm4b:s3+s2], $0x80, v4, vm0, $0xb8;
	[tilespmem:$0x10200] =	vst v63  }
0xf8: {  	_ = 	snop  }
0xf9: {  	[tilespmem:s12], [sflag:$0x2] =	stream.indirect_vreg.gather [hbm4b:s4+s2], $0x80, v4, vm0, $0xb8;
	[tilespmem:$0x10200] =	vst v63  }
0xfa: {  	_ = 	snop  }
0xfb: {  	[tilespmem:s13], [sflag:$0x2] =	stream.indirect_vreg.gather [hbm4b:s3+s2], $0x80, v3, vm0, $0xb8;
	[tilespmem:$0x10200] =	vst v63  }
0xfc: {  	_ = 	snop  }
0xfd: {  	[tilespmem:s7], [sflag:$0x2] =	stream.indirect_vreg.gather [hbm4b:s4+s2], $0x80, v3, vm0, $0xb8;
	[tilespmem:$0x10200] =	vst v63  }
0xfe: {  	v3 =	vld [tilespmem:$0x1A0];
	_ =	sdelay $0x4  }
0xff: {  	v62 =	vshll.u32 v3, $0x2  }
0x100: {  	v3 =	vand.u32 $0x7, v3;
	v4 =	vand.u32 $0xFFFFFFE0, v62  }
0x101: {  	v3 =	vor.u32 v3, v4  }
0x102: {  	v4 =	vperm.xlane v3, v0;
	_ =	sdelay $0x1  }
0x103: {  	v4 =	vadd.s32 v1, v4;
	_ =	sdelay $0x1  }
0x104: {  	v3 =	vperm.xlane v3, v2;
	_ =	sdelay $0x1  }
0x105: {  	s16 =	simm.s32 $0xC200;
	v3 =	vadd.s32 v1, v3  }
0x106: {  	[tilespmem:s16], [sflag:$0x2] =	stream.indirect_vreg.gather [hbm4b:s3+s2], $0x80, v4, vm0, $0xb8;
	[tilespmem:$0x10200] =	vst v63  }
0x107: {  	s17 =	simm.s32 $0xCA00  }
0x108: {  	[tilespmem:s17], [sflag:$0x2] =	stream.indirect_vreg.gather [hbm4b:s4+s2], $0x80, v4, vm0, $0xb8;
	[tilespmem:$0x10200] =	vst v63  }
0x109: {  	s14 =	simm.s32 $0xD200  }
0x10a: {  	[tilespmem:s14], [sflag:$0x2] =	stream.indirect_vreg.gather [hbm4b:s3+s2], $0x80, v3, vm0, $0xb8;
	[tilespmem:$0x10200] =	vst v63  }
0x10b: {  	s16 =	simm.s32 $0xDA00  }
0x10c: {  	[tilespmem:s16], [sflag:$0x2] =	stream.indirect_vreg.gather [hbm4b:s4+s2], $0x80, v3, vm0, $0xb8;
	[tilespmem:$0x10200] =	vst v63  }
0x10d: {  	v3 =	vld [tilespmem:$0x1B0];
	_ =	sdelay $0x4  }
0x10e: {  	v63 =	vshll.u32 v3, $0x2  }
0x10f: {  	v3 =	vand.u32 $0x7, v3;
	v4 =	vand.u32 $0xFFFFFFE0, v63  }
0x110: {  	v3 =	vor.u32 v3, v4  }
0x111: {  	v4 =	vperm.xlane v3, v0;
	_ =	sdelay $0x1  }
0x112: {  	v4 =	vadd.s32 v1, v4;
	_ =	sdelay $0x1  }
0x113: {  	v3 =	vperm.xlane v3, v2;
	_ =	sdelay $0x1  }
0x114: {  	s17 =	simm.s32 $0xE200;
	v3 =	vadd.s32 v1, v3  }
0x115: {  	[tilespmem:s17], [sflag:$0x2] =	stream.indirect_vreg.gather [hbm4b:s3+s2], $0x80, v4, vm0, $0xb8;
	[tilespmem:$0x10200] =	vst v63  }
0x116: {  	s14 =	simm.s32 $0xEA00  }
0x117: {  	[tilespmem:s14], [sflag:$0x2] =	stream.indirect_vreg.gather [hbm4b:s4+s2], $0x80, v4, vm0, $0xb8;
	[tilespmem:$0x10200] =	vst v63  }
0x118: {  	s16 =	simm.s32 $0xF200  }
0x119: {  	[tilespmem:s16], [sflag:$0x2] =	stream.indirect_vreg.gather [hbm4b:s3+s2], $0x80, v3, vm0, $0xb8;
	[tilespmem:$0x10200] =	vst v63  }
0x11a: {  	s17 =	simm.s32 $0xFA00  }
0x11b: {  	[tilespmem:s17], [sflag:$0x2] =	stream.indirect_vreg.gather [hbm4b:s4+s2], $0x80, v3, vm0, $0xb8;
	[tilespmem:$0x10200] =	vst v63  }
0x11c: {  	_ =	swait.ge [sflag:s1], $0x8000  }
0x11d: {  	[sflag:s1] =	ssyncset.done $0x0  }
0x11e: {  	[sflag:s1] =	ssyncadd.s32 $0xFFFF8000  }
0x11f: {  	_ =	swait.ge [sflag:s15], $0x8000  }
0x120: {  	[sflag:s15] =	ssyncset.done $0x0  }
0x121: {  	s14 =	simm.s32 $0x200;
	s7 =	rddreg [dreg:$0x6];
	[sflag:s15] =	ssyncadd.s32 $0xFFFF8000  }
0x122: {  	[hbm4b:s7+s2] =	stream.linear.scatter [tilespmem:s14], [sflag:$0x3], $0x8000, $0x38;
	[tilespmem:$0x10200] =	vst v63  }
0x123: {  	_ =	swait.ge [sflag:s6], $0x8000  }
0x124: {  	p0 =	sne.s32 s5, $0x1;
	[sflag:s6] =	ssyncset.done $0x0  }
.Ltmp0:
0x125: {  	s17 =	rddreg [dreg:$0x7];
	[sflag:s6] =	ssyncadd.s32 $0xFFFF8000;
	(pc) =	sbr.rel @p0 .LBB2_1-.Ltmp0, $4  }
0x126: {  	[hbm4b:s17+s2] =	stream.linear.scatter [tilespmem:s0], [sflag:$0x3], $0x8000, $0x38;
	[tilespmem:$0x10200] =	vst v63  }
0x127: {  	_ =	swait.ge [sflag:s6], $0x8000  }
0x128: {  	[sflag:s6] =	ssyncset.done $0x0  }
0x129: {  	s5 =	sadd.s32 $0xFFFFFFFF, s5;
	[sflag:s6] =	ssyncadd.s32 $0xFFFF8000  }
0x12a: {  	_ =	sfence.sel $0x180000  }
0x12b: {  	[bflag:$0x0] =	sbarrier.arrive $0xFFFF  }
0x12c: {  	_ =	strace $0x9000004A  }
0x12d: {  	s0 =	stileid.u32;
	[bflag:$0x2] =	sbarrier.arrive $0xFFFF  }
0x12e: {  	p0 =	sne.s32 s0, $0x0;
	s0 =	rddreg [dreg:$0x1]  }
0x12f: {  	s0 =	sadd.s32 @!p0 $0x100000, s0  }
0x130: {  	[sflag:s0] =	ssyncadd.tile.s32 @!p0 $0x1;
	_ =	shalt  }
.Lfunc_end2:
_tile_overlayer_lowered:
.L_overlay_start_2:
0x131: {  	(tag) =	ssettag $0x2  }
0x132: {  	s0 =	rddreg [dreg:$0x0];
	s2 =	stileid.u32  }
0x133: {  	s1 =	rddreg [dreg:$0x1];
	p0 =	sne.s32 s2, $0x0  }
0x134: {  	s3 =	rddreg [dreg:$0x2];
	[bflag:$0x3] =	sbarrier.arrive $0xFFFF;
	s2 =	simm.s32 @!p0 $0x1C03  }
0x135: {  	[timem:s3], [sflag:s2] =	dma.local @!p0 [hbm:s0], s1  }
0x136: {  	s0 =	simm.s32 @!p0 $0x3  }
0x137: {  	_ =	swait.ge @!p0 [sflag:s0], s1  }
0x138: {  	s1 =	ssub.s32 @!p0 $0x0, s1;
	[sflag:s0] =	ssyncset.done @!p0 $0x0  }
0x139: {  	[sflag:s0] =	ssyncadd.s32 @!p0 s1  }
0x13a: {  	[bflag:$0x3] =	sbarrier.arrive $0xFFFF  }
0x13b: {  	_ =	shalt  }

// kernel: kernel.8.cloned.1.call-start
scs
__scs_entry_jumppad:
0x0: {  	(pc) =	sbr.rel $0x88, $3  }
0x1: {  	(tag) =	ssettag $0x0;
	lr =	simm.s32 $0x1  }
0x2: {  	[smem:$0x3F99] =	sst lr;
	_ =	strace $0xD0000000  }
0x3: {  	_ = 	snop  }
0x4: {  	_ = 	snop  }
0x5: {  	_ = 	snop  }
0x6: {  	_ = 	snop  }
0x7: {  	_ = 	snop  }
__scs_overlays_trampoline_lowered:
0x8: {  	[smem:$0x3FA8] =	sst s0  }
0x9: {  	[smem:$0x3FA9] =	sst s1  }
0xa: {  	[smem:$0x3FAA] =	sst s2  }
0xb: {  	[smem:$0x3FAB] =	sst s3  }
0xc: {  	[smem:$0x3FAC] =	sst s4  }
0xd: {  	[smem:$0x3FAD] =	sst s5  }
0xe: {  	[smem:$0x3FAE] =	sst s6  }
0xf: {  	[smem:$0x3FAF] =	sst s7  }
0x10: {  	[smem:$0x3FB0] =	sst s8  }
0x11: {  	[smem:$0x3FB1] =	sst s9;
	s0 =	simm.s32 @!p0 $0x0  }
0x12: {  	s1 =	sld [smem:$0x3F97];
	s0 =	simm.s32 @p0 $0x1  }
0x13: {  	[smem:$0x3FB2] =	sst s0;
	s0 =	simm.s32 @!p1 $0x0  }
0x14: {  	s2 =	sld [smem:$0x3F96];
	s0 =	simm.s32 @p1 $0x1  }
0x15: {  	[smem:$0x3FB3] =	sst s0;
	s0 =	simm.s32 @!p2 $0x0  }
0x16: {  	s3 =	sld [smem:$0x3FDB];
	s0 =	simm.s32 @p2 $0x1  }
0x17: {  	s4 =	simm.s32 $0x1BF5;
	[smem:$0x3FB5] =	sst s0  }
0x18: {  	s0 =	sld [smem:$0x3F98];
	_ =	swait.ge [sflag:s4], $0x0  }
0x19: {  	s7 =	sld [smem:$0x3F99]  }
0x1a: {  	s8 =	sadd.s32 $0xFFFFE003, lr  }
0x1b: {  	s9 =	sadd.s32 $0xFFFFFEF7, lr;
	s5 =	simm.s32 $0xFFFFFFFF;
	p2 =	slt.u32 s8, $0xFFFFF086  }
0x1c: {  	p1 =	slt.u32 s9, $0xF7A;
	s5 =	simm.s32 @!p2 $0x0  }
0x1d: {  	s5 =	simm.s32 @p1 $0x1;
	p0 =	seq.s32 s7, s2  }
0x1e: {  	s7 =	smul.u32 @!p0 $0xF7A, s2;
	p2 =	seq.s32 @!p0 s5, $0x0  }
0x1f: {  	s9 =	smul.u32 $0xF7A, s1;
	s8 =	simm.s32 @!p0 $0x1BF5;
	p2 =	por !p2, p0  }
0x20: {  	[sflag:s8] =	ssyncset.s32 @!p0 $0xFFFFF086;
	s6 =	sadd.s32 @!p0 s3, s7;
	s7 =	simm.s32 @!p0 $0x108  }
0x21: {  	s3 =	sadd.s32 s3, s9;
	s6 =	sadd.s32 @!p0 $0x88, s6;
	s7 =	simm.s32 @p2 $0x1082  }
0x22: {  	[simem:s7], [sflag:s8] =	dma.local @!p0 [hbm:s6], $0xF7A  }
0x23: {  	s9 =	sor.u32 $0xD0000000, s2;
	s6 =	simm.s32 $0x108;
	_ =	swait.ge @!p0 [sflag:s8], $0x0  }
0x24: {  	s3 =	sadd.s32 $0x88, s3;
	s6 =	simm.s32 @!p1 $0x1082;
	[sflag:s4] =	ssyncset.s32 $0xFFFFF086  }
0x25: {  	[simem:s6], [sflag:s4] =	dma.local [hbm:s3], $0xF7A  }
0x26: {  	[smem:$0x3F99] =	sst s1;
	(tag) =	ssettag s2;
	_ =	strace s9  }
0x27: {  	s1 =	sld [smem:$0x3FA9]  }
0x28: {  	s2 =	sld [smem:$0x3FAA]  }
0x29: {  	s4 =	sld [smem:$0x3FAC]  }
0x2a: {  	p0 =	seq.s32 s5, $0x0;
	s5 =	sld [smem:$0x3FAD]  }
0x2b: {  	s6 =	sld [smem:$0x3FAE]  }
0x2c: {  	s7 =	sld [smem:$0x3FAF]  }
0x2d: {  	s3 =	simm.s32 $0x108;
	s8 =	sld [smem:$0x3FB0]  }
0x2e: {  	s3 =	simm.s32 @!p0 $0x1082;
	s9 =	sld [smem:$0x3FB1]  }
0x2f: {  	lr =	sadd.s32 s0, s3;
	s0 =	sld [smem:$0x3FA8]  }
0x30: {  	s3 =	sld [smem:$0x3FAB]  }
0x31: {  	[smem:$0x3FB4] =	sst s10  }
0x32: {  	s10 =	sld [smem:$0x3FB2];
	_ =	sdelay $0x3  }
0x33: {  	p0 =	seq.s32 s10, $0x1;
	s10 =	sld [smem:$0x3FB4];
	_ =	sdelay $0x3  }
0x34: {  	[smem:$0x3FB4] =	sst s10  }
0x35: {  	s10 =	sld [smem:$0x3FB3];
	_ =	sdelay $0x3  }
0x36: {  	p1 =	seq.s32 s10, $0x1;
	s10 =	sld [smem:$0x3FB4];
	_ =	sdelay $0x3  }
0x37: {  	[smem:$0x3FB4] =	sst s10  }
0x38: {  	s10 =	sld [smem:$0x3FB5]  }
0x39: {  	_ = 	snop;
	(pc) =	sbr.ind lr, $3  }
0x3a: {  	_ = 	snop  }
0x3b: {  	_ = 	snop  }
0x3c: {  	p2 =	seq.s32 s10, $0x1;
	s10 =	sld [smem:$0x3FB4]  }
0x3d: {  	_ =	shalt  }
0x3e: {  	_ =	shalt  }
0x3f: {  	_ =	shalt  }
0x40: {  	_ =	shalt  }
0x41: {  	_ =	shalt  }
0x42: {  	_ =	shalt  }
0x43: {  	_ =	shalt  }
0x44: {  	_ =	shalt  }
0x45: {  	_ =	shalt  }
0x46: {  	_ =	shalt  }
0x47: {  	_ =	shalt  }
0x48: {  	_ =	shalt  }
0x49: {  	_ =	shalt  }
0x4a: {  	_ =	shalt  }
0x4b: {  	_ =	shalt  }
0x4c: {  	_ =	shalt  }
0x4d: {  	_ =	shalt  }
0x4e: {  	_ =	shalt  }
0x4f: {  	_ =	shalt  }
0x50: {  	_ =	shalt  }
0x51: {  	_ =	shalt  }
0x52: {  	_ =	shalt  }
0x53: {  	_ =	shalt  }
0x54: {  	_ =	shalt  }
0x55: {  	_ =	shalt  }
0x56: {  	_ =	shalt  }
0x57: {  	_ =	shalt  }
0x58: {  	_ =	shalt  }
0x59: {  	_ =	shalt  }
0x5a: {  	_ =	shalt  }
0x5b: {  	_ =	shalt  }
0x5c: {  	_ =	shalt  }
0x5d: {  	_ =	shalt  }
0x5e: {  	_ =	shalt  }
0x5f: {  	_ =	shalt  }
0x60: {  	_ =	shalt  }
0x61: {  	_ =	shalt  }
0x62: {  	_ =	shalt  }
0x63: {  	_ =	shalt  }
0x64: {  	_ =	shalt  }
0x65: {  	_ =	shalt  }
0x66: {  	_ =	shalt  }
0x67: {  	_ =	shalt  }
0x68: {  	_ =	shalt  }
0x69: {  	_ =	shalt  }
0x6a: {  	_ =	shalt  }
0x6b: {  	_ =	shalt  }
0x6c: {  	_ =	shalt  }
0x6d: {  	_ =	shalt  }
0x6e: {  	_ =	shalt  }
0x6f: {  	_ =	shalt  }
0x70: {  	_ =	shalt  }
0x71: {  	_ =	shalt  }
0x72: {  	_ =	shalt  }
0x73: {  	_ =	shalt  }
0x74: {  	_ =	shalt  }
0x75: {  	_ =	shalt  }
0x76: {  	_ =	shalt  }
0x77: {  	_ =	shalt  }
0x78: {  	_ =	shalt  }
0x79: {  	_ =	shalt  }
0x7a: {  	_ =	shalt  }
0x7b: {  	_ =	shalt  }
0x7c: {  	_ =	shalt  }
0x7d: {  	_ =	shalt  }
0x7e: {  	_ =	shalt  }
0x7f: {  	_ =	shalt  }
0x80: {  	_ =	shalt  }
0x81: {  	_ =	shalt  }
0x82: {  	_ =	shalt  }
0x83: {  	_ =	shalt  }
0x84: {  	_ =	shalt  }
0x85: {  	_ =	shalt  }
0x86: {  	_ =	shalt  }
0x87: {  	_ =	shalt  }
.Lfunc_end0:
.L_simem_size_0:
called_computation_lowered:
.L_overlay_start_0:
0x88: {  	s2 =	sld [smem:$0x3FD9]  }
0x89: {  	s3 =	sld [smem:$0x3FFE];
	_ =	sdelay $0x1  }
0x8a: {  	s1 =	srdreg.scid  }
0x8b: {  	s0 =	sand.u32 $0x1, s1  }
0x8c: {  	s17 =	sshll.u32 s0, $0xA;
	s2 =	sadd.s32 s3, s2  }
0x8d: {  	s2 =	sadd.s32 s2, s17  }
0x8e: {  	[smem:$0x3FC0] =	sst s2  }
0x8f: {  	_ = 	snop  }
0x90: {  	s2 =	sld [smem:$0x3FD0];
	(tm) =	ssettm $0x1  }
0x91: {  	s18 =	sld [smem:$0x3FFB];
	_ =	sdelay $0x3  }
0x92: {  	_ =	strace s18  }
0x93: {  	s3 =	sld [smem:$0x3FFC];
	_ =	sdelay $0x3  }
0x94: {  	_ =	strace s3  }
0x95: {  	s3 =	sld [smem:$0x3FFD];
	_ =	sdelay $0x3  }
0x96: {  	_ =	strace s3  }
0x97: {  	_ =	strace $0x8FFFFFFF  }
0x98: {  	s19 =	sld [smem:$0x3FDB];
	_ =	sdelay $0x1  }
0x99: {  	s4 =	simm.s32 $_scs_section_size  }
0x9a: {  	s5 =	simm.s32 $_size__tile_overlayer_lowered;
	s6 =	simm.s32 $_tile_overlayer_lowered  }
0x9b: {  	s22 =	simm.s32 $0x1BFF;
	s21 =	sshll.u32 s6, $0x1;
	s3 =	sadd.s32 s4, s19  }
0x9c: {  	s7 =	simm.s32 $0x0;
	s20 =	sshll.u32 s5, $0x1;
	s5 =	sadd.s32 s21, s3  }
0x9d: {  	[timem:s7], [sflag:s22] =	dma.local [hbm:s5], s20  }
0x9e: {  	_ =	swait.ge [sflag:s22], s20  }
0x9f: {  	s4 =	ssub.s32 $0x0, s20;
	[sflag:s22] =	ssyncset.done $0x0  }
0xa0: {  	[sflag:s22] =	ssyncadd.s32 s4;
	_ =	sdelay $0x1  }
0xa1: {  	s23 =	simm.s32 $0x1B8B  }
0xa2: {  	_ =	swait.ge [sflag:s23], $0x1  }
0xa3: {  	[sflag:s23] =	ssyncset.done $0x0  }
0xa4: {  	s25 =	simm.s32 $0x1B8E;
	s24 =	sld [smem:$0x3FFE];
	[sflag:s23] =	ssyncadd.s32 $0xFFFFFFFF  }
0xa5: {  	s26 =	simm.s32 $execute0_lowered;
	[smem:$0x3FD2] =	sst s25  }
0xa6: {  	s5 =	sshll.u32 s26, $0x1;
	_ =	strace $0x80000046;
	[dreg:$0x1] =	wrdreg $0xFFFFFFFF  }
0xa7: {  	s28 =	simm.s32 $_size_execute0_lowered;
	s3 =	sadd.s32 s3, s5;
	[dreg:$0x0] =	wrdreg $0x0  }
0xa8: {  	s5 =	sshll.u32 s28, $0x1;
	[dreg:$0x2] =	wrdreg s3  }
0xa9: {  	[dreg:$0x3] =	wrdreg s5  }
0xaa: {  	[dreg:$0x4] =	wrdreg $0xC0  }
0xab: {  	_ =	task [dreg:s7], $0x5FFFF  }
0xac: {  	[dreg:$0x1] =	wrdreg $0xFFFFFFFF  }
0xad: {  	[dreg:$0x0] =	wrdreg $0x60  }
0xae: {  	[dreg:$0x2] =	wrdreg s2  }
0xaf: {  	[dreg:$0x3] =	wrdreg s24  }
0xb0: {  	[dreg:$0x4] =	wrdreg $0x9  }
0xb1: {  	_ =	task.clear_ibuf [dreg:s7], $0x5FFFF;
	_ =	strace $0x90000046  }
0xb2: {  	s29 =	simm.s32 $0x9;
	_ =	strace $0x80000048  }
0xb3: {  	_ =	swait.ge [sflag:s29], $0x1  }
0xb4: {  	[sflag:s29] =	ssyncadd.s32 $0xFFFFFFFF  }
0xb5: {  	_ =	strace $0x90000048  }
0xb6: {  	_ =	sfence  }
0xb7: {  	s30 =	sld [smem:$0x0];
	_ =	sdelay $0x2  }
0xb8: {  	s31 =	sshll.u32 s1, $0xD;
	s1 =	sshrl.u32 s1, $0x2  }
0xb9: {  	s3 =	sand.u32 $0x4000, s31;
	s1 =	sadd.s32 s1, s30  }
0xba: {  	s0 =	sor.u32 s3, s0;
	s1 =	sshll.u32 s1, $0x11  }
0xbb: {  	s0 =	sor.u32 s1, s0  }
0xbc: {  	s0 =	sadd.s32 $0x8F2B, s0  }
0xbd: {  	[sflag:s0] =	ssyncadd.remote.s32 $0x1  }
0xbe: {  	_ =	sfence.sel $0xFFFF  }
0xbf: {  	[dreg:$0x0] =	wrdreg $0xFFFFFFFF;
	(pc) =	sbr.abs _section_cstart, $3  }
0xc0: {  	[dreg:$0x1] =	wrdreg $0xFFFFFFFF  }
0xc1: {  	_ =	task.clear_ibuf [dreg:s7], $0x2FFFF;
	_ =	strace $0x9FFFFFFF  }
0xc2: {  	(tm) =	ssettm $0x7FFFFFFF  }
0xc3: {  	_ =	shalt  }
tec
execute0_lowered:
.L_overlay_start_1:
0x0: {  	(tag) =	ssettag $0x1  }
0x1: {  	s0 =	rddreg [dreg:$0x0];
	s1 =	srdreg.scid  }
0x2: {  	s2 =	stileid.u32;
	s4 =	rddreg [dreg:$0x1];
	s26 =	simm.s32 $0x100  }
0x3: {  	s31 =	simm.s32 $0xBA00;
	s9 =	simm.s32 $0xDA00;
	s10 =	simm.s32 $0xE200  }
0x4: {  	s11 =	simm.s32 $0xEA00;
	s12 =	simm.s32 $0xF200;
	s13 =	simm.s32 $0xFA00  }
0x5: {  	s14 =	simm.s32 $0x1;
	s22 =	simm.s32 $0x4200;
	s23 =	simm.s32 $0x4A00  }
0x6: {  	s24 =	simm.s32 $0x5200;
	s25 =	simm.s32 $0x5A00;
	s28 =	simm.s32 $0x6A00  }
0x7: {  	s29 =	simm.s32 $0x7200;
	s1 =	sand.u32 $0x1, s1;
	s3 =	sshll.u32 s2, $0x1  }
0x8: {  	s30 =	simm.s32 $0x7A00;
	s2 =	simm.s32 $0x0;
	s5 =	sor.u32 s1, s3  }
0x9: {  	[smem:$0x7FF] =	sst s2;
	s1 =	ssub.s32 $0x2, s1;
	s3 =	sshll.u32 s5, $0x5  }
0xa: {  	_ =	strace $0x80000047;
	s7 =	sshrl.u32 s1, $0x1;
	s5 =	sshll.u32 s5, $0xD  }
0xb: {  	[dreg:$0x6] =	wrdreg s26;
	s26 =	simm.s32 $0x6200;
	s6 =	sadd.s32 s3, s4  }
0xc: {  	s3 =	sadd.s32 $0x1A00, s4;
	s1 =	ssub.s32 s1, s7;
	s0 =	sadd.s32 s0, s5  }
0xd: {  	s4 =	sadd.s32 $0x1B00, s4;
	s7 =	simm.s32 $0x200;
	s8 =	sadd.s32 $0x1600, s6  }
0xe: {  	v2 =	vlaneseq.u32;
	s6 =	sadd.s32 $0x1200, s6;
	[dreg:$0x5] =	wrdreg s0;
	s5 =	smax.u32 s1, $0x1  }
0xf: {  	vm0 =	vmmov $0xffff;
	v1 =	vshrl.u32 v2, $0x3;
	s1 =	simm.s32 $0xC200;
	s0 =	simm.s32 $0xCA00;
	[dreg:$0x3] =	wrdreg s8  }
0x10: {  	v0 =	vand.u32 $0x7, v2;
	v2 =	vor.u32 $0x8, v2;
	v1 =	vmul.u32 $0x8, v1;
	[dreg:$0x4] =	wrdreg s6;
	s6 =	simm.s32 $0x2;
	s8 =	simm.s32 $0xD200  }
.LBB2_1:
0x11: {  	s15 =	rddreg [dreg:$0x3]  }
0x12: {  	[tilespmem:s2], [sflag:$0x2] =	stream.linear.gather [hbm4b:s15+s2], $0x100, $0x38;
	[tilespmem:$0x10200] =	vst v63  }
0x13: {  	_ =	swait.ge [sflag:s6], $0x100  }
0x14: {  	s20 =	rddreg [dreg:$0x4];
	[sflag:s6] =	ssyncset.done $0x0  }
0x15: {  	s16 =	rddreg [dreg:$0x6];
	[sflag:s6] =	ssyncadd.s32 $0xFFFFFF00  }
0x16: {  	[tilespmem:s16], [sflag:$0x2] =	stream.linear.gather [hbm4b:s20+s2], $0x100, $0x38;
	[tilespmem:$0x10200] =	vst v63  }
0x17: {  	_ =	swait.ge [sflag:s6], $0x100  }
0x18: {  	[sflag:s6] =	ssyncset.done $0x0  }
0x19: {  	s21 =	rddreg [dreg:$0x5];
	[sflag:s6] =	ssyncadd.s32 $0xFFFFFF00  }
0x1a: {  	[tilespmem:s7], [sflag:$0x2] =	stream.linear.gather [hbm4b:s21+s2], $0x10000, $0x38;
	[tilespmem:$0x10200] =	vst v63  }
0x1b: {  	_ =	swait.ge [sflag:s6], $0x10000  }
0x1c: {  	[sflag:s6] =	ssyncset.done $0x0  }
0x1d: {  	[sflag:s6] =	ssyncadd.s32 $0xFFFF0000  }
0x1e: {  	v3 =	vld [tilespmem:$0x0];
	_ =	sdelay $0x4  }
0x1f: {  	v4 =	vshll.u32 v3, $0x2  }
0x20: {  	v3 =	vand.u32 $0x7, v3;
	v4 =	vand.u32 $0xFFFFFFE0, v4  }
0x21: {  	v3 =	vor.u32 v3, v4  }
0x22: {  	v4 =	vperm.xlane v3, v0;
	_ =	sdelay $0x1  }
0x23: {  	v4 =	vadd.s32 v1, v4;
	_ =	sdelay $0x1  }
0x24: {  	v3 =	vperm.xlane v3, v2;
	_ =	sdelay $0x1  }
0x25: {  	v3 =	vadd.s32 v1, v3  }
0x26: {  	[hbm4b:s3+s2] =	stream.indirect_vreg.scatter [tilespmem:s7], [sflag:$0x1], $0x80, v4, vm0, $0xb8;
	[tilespmem:$0x10200] =	vst v63  }
0x27: {  	s15 =	simm.s32 $0xA00  }
0x28: {  	[hbm4b:s4+s2] =	stream.indirect_vreg.scatter [tilespmem:s15], [sflag:$0x1], $0x80, v4, vm0, $0xb8;
	[tilespmem:$0x10200] =	vst v63  }
0x29: {  	s16 =	simm.s32 $0x1200  }
0x2a: {  	[hbm4b:s3+s2] =	stream.indirect_vreg.scatter [tilespmem:s16], [sflag:$0x1], $0x80, v3, vm0, $0xb8;
	[tilespmem:$0x10200] =	vst v63  }
0x2b: {  	s17 =	simm.s32 $0x1A00  }
0x2c: {  	[hbm4b:s4+s2] =	stream.indirect_vreg.scatter [tilespmem:s17], [sflag:$0x1], $0x80, v3, vm0, $0xb8;
	[tilespmem:$0x10200] =	vst v63  }
0x2d: {  	v3 =	vld [tilespmem:$0x10];
	_ =	sdelay $0x4  }
0x2e: {  	v49 =	vshll.u32 v3, $0x2  }
0x2f: {  	v3 =	vand.u32 $0x7, v3;
	v4 =	vand.u32 $0xFFFFFFE0, v49  }
0x30: {  	v3 =	vor.u32 v3, v4  }
0x31: {  	v4 =	vperm.xlane v3, v0;
	_ =	sdelay $0x1  }
0x32: {  	v4 =	vadd.s32 v1, v4;
	_ =	sdelay $0x1  }
0x33: {  	v3 =	vperm.xlane v3, v2;
	_ =	sdelay $0x1  }
0x34: {  	s18 =	simm.s32 $0x2200;
	v3 =	vadd.s32 v1, v3  }
0x35: {  	[hbm4b:s3+s2] =	stream.indirect_vreg.scatter [tilespmem:s18], [sflag:$0x1], $0x80, v4, vm0, $0xb8;
	[tilespmem:$0x10200] =	vst v63  }
0x36: {  	s19 =	simm.s32 $0x2A00  }
0x37: {  	[hbm4b:s4+s2] =	stream.indirect_vreg.scatter [tilespmem:s19], [sflag:$0x1], $0x80, v4, vm0, $0xb8;
	[tilespmem:$0x10200] =	vst v63  }
0x38: {  	s20 =	simm.s32 $0x3200  }
0x39: {  	[hbm4b:s3+s2] =	stream.indirect_vreg.scatter [tilespmem:s20], [sflag:$0x1], $0x80, v3, vm0, $0xb8;
	[tilespmem:$0x10200] =	vst v63  }
0x3a: {  	s21 =	simm.s32 $0x3A00  }
0x3b: {  	[hbm4b:s4+s2] =	stream.indirect_vreg.scatter [tilespmem:s21], [sflag:$0x1], $0x80, v3, vm0, $0xb8;
	[tilespmem:$0x10200] =	vst v63  }
0x3c: {  	v3 =	vld [tilespmem:$0x20];
	_ =	sdelay $0x4  }
0x3d: {  	v50 =	vshll.u32 v3, $0x2  }
0x3e: {  	v3 =	vand.u32 $0x7, v3;
	v4 =	vand.u32 $0xFFFFFFE0, v50  }
0x3f: {  	v3 =	vor.u32 v3, v4  }
0x40: {  	v4 =	vperm.xlane v3, v0;
	_ =	sdelay $0x1  }
0x41: {  	v4 =	vadd.s32 v1, v4;
	_ =	sdelay $0x1  }
0x42: {  	v3 =	vperm.xlane v3, v2;
	_ =	sdelay $0x1  }
0x43: {  	v3 =	vadd.s32 v1, v3  }
0x44: {  	[hbm4b:s3+s2] =	stream.indirect_vreg.scatter [tilespmem:s22], [sflag:$0x1], $0x80, v4, vm0, $0xb8;
	[tilespmem:$0x10200] =	vst v63  }
0x45: {  	_ = 	snop  }
0x46: {  	[hbm4b:s4+s2] =	stream.indirect_vreg.scatter [tilespmem:s23], [sflag:$0x1], $0x80, v4, vm0, $0xb8;
	[tilespmem:$0x10200] =	vst v63  }
0x47: {  	_ = 	snop  }
0x48: {  	[hbm4b:s3+s2] =	stream.indirect_vreg.scatter [tilespmem:s24], [sflag:$0x1], $0x80, v3, vm0, $0xb8;
	[tilespmem:$0x10200] =	vst v63  }
0x49: {  	_ = 	snop  }
0x4a: {  	[hbm4b:s4+s2] =	stream.indirect_vreg.scatter [tilespmem:s25], [sflag:$0x1], $0x80, v3, vm0, $0xb8;
	[tilespmem:$0x10200] =	vst v63  }
0x4b: {  	v3 =	vld [tilespmem:$0x30];
	_ =	sdelay $0x4  }
0x4c: {  	v51 =	vshll.u32 v3, $0x2  }
0x4d: {  	v3 =	vand.u32 $0x7, v3;
	v4 =	vand.u32 $0xFFFFFFE0, v51  }
0x4e: {  	v3 =	vor.u32 v3, v4  }
0x4f: {  	v4 =	vperm.xlane v3, v0;
	_ =	sdelay $0x1  }
0x50: {  	v4 =	vadd.s32 v1, v4;
	_ =	sdelay $0x1  }
0x51: {  	v3 =	vperm.xlane v3, v2;
	_ =	sdelay $0x1  }
0x52: {  	v3 =	vadd.s32 v1, v3  }
0x53: {  	[hbm4b:s3+s2] =	stream.indirect_vreg.scatter [tilespmem:s26], [sflag:$0x1], $0x80, v4, vm0, $0xb8;
	[tilespmem:$0x10200] =	vst v63  }
0x54: {  	_ = 	snop  }
0x55: {  	[hbm4b:s4+s2] =	stream.indirect_vreg.scatter [tilespmem:s28], [sflag:$0x1], $0x80, v4, vm0, $0xb8;
	[tilespmem:$0x10200] =	vst v63  }
0x56: {  	_ = 	snop  }
0x57: {  	[hbm4b:s3+s2] =	stream.indirect_vreg.scatter [tilespmem:s29], [sflag:$0x1], $0x80, v3, vm0, $0xb8;
	[tilespmem:$0x10200] =	vst v63  }
0x58: {  	_ = 	snop  }
0x59: {  	[hbm4b:s4+s2] =	stream.indirect_vreg.scatter [tilespmem:s30], [sflag:$0x1], $0x80, v3, vm0, $0xb8;
	[tilespmem:$0x10200] =	vst v63  }
0x5a: {  	v3 =	vld [tilespmem:$0x100];
	_ =	sdelay $0x4  }
0x5b: {  	v52 =	vshll.u32 v3, $0x2  }
0x5c: {  	v3 =	vand.u32 $0x7, v3;
	v4 =	vand.u32 $0xFFFFFFE0, v52  }
0x5d: {  	v3 =	vor.u32 v3, v4  }
0x5e: {  	v4 =	vperm.xlane v3, v0;
	_ =	sdelay $0x1  }
0x5f: {  	v4 =	vadd.s32 v1, v4;
	_ =	sdelay $0x1  }
0x60: {  	v3 =	vperm.xlane v3, v2;
	_ =	sdelay $0x1  }
0x61: {  	v3 =	vadd.s32 v1, v3  }
0x62: {  	[hbm4b:s3+s2] =	stream.indirect_vreg.scatter [tilespmem:s7], [sflag:$0x1], $0x80, v4, vm0, $0xb8;
	[tilespmem:$0x10200] =	vst v63  }
0x63: {  	_ = 	snop  }
0x64: {  	[hbm4b:s4+s2] =	stream.indirect_vreg.scatter [tilespmem:s15], [sflag:$0x1], $0x80, v4, vm0, $0xb8;
	[tilespmem:$0x10200] =	vst v63  }
0x65: {  	_ = 	snop  }
0x66: {  	[hbm4b:s3+s2] =	stream.indirect_vreg.scatter [tilespmem:s16], [sflag:$0x1], $0x80, v3, vm0, $0xb8;
	[tilespmem:$0x10200] =	vst v63  }
0x67: {  	_ = 	snop  }
0x68: {  	[hbm4b:s4+s2] =	stream.indirect_vreg.scatter [tilespmem:s17], [sflag:$0x1], $0x80, v3, vm0, $0xb8;
	[tilespmem:$0x10200] =	vst v63  }
0x69: {  	v3 =	vld [tilespmem:$0x110];
	_ =	sdelay $0x4  }
0x6a: {  	v53 =	vshll.u32 v3, $0x2  }
0x6b: {  	v3 =	vand.u32 $0x7, v3;
	v4 =	vand.u32 $0xFFFFFFE0, v53  }
0x6c: {  	v3 =	vor.u32 v3, v4  }
0x6d: {  	v4 =	vperm.xlane v3, v0;
	_ =	sdelay $0x1  }
0x6e: {  	v4 =	vadd.s32 v1, v4;
	_ =	sdelay $0x1  }
0x6f: {  	v3 =	vperm.xlane v3, v2;
	_ =	sdelay $0x1  }
0x70: {  	v3 =	vadd.s32 v1, v3  }
0x71: {  	[hbm4b:s3+s2] =	stream.indirect_vreg.scatter [tilespmem:s18], [sflag:$0x1], $0x80, v4, vm0, $0xb8;
	[tilespmem:$0x10200] =	vst v63  }
0x72: {  	_ = 	snop  }
0x73: {  	[hbm4b:s4+s2] =	stream.indirect_vreg.scatter [tilespmem:s19], [sflag:$0x1], $0x80, v4, vm0, $0xb8;
	[tilespmem:$0x10200] =	vst v63  }
0x74: {  	_ = 	snop  }
0x75: {  	[hbm4b:s3+s2] =	stream.indirect_vreg.scatter [tilespmem:s20], [sflag:$0x1], $0x80, v3, vm0, $0xb8;
	[tilespmem:$0x10200] =	vst v63  }
0x76: {  	_ = 	snop  }
0x77: {  	[hbm4b:s4+s2] =	stream.indirect_vreg.scatter [tilespmem:s21], [sflag:$0x1], $0x80, v3, vm0, $0xb8;
	[tilespmem:$0x10200] =	vst v63  }
0x78: {  	v3 =	vld [tilespmem:$0x120];
	_ =	sdelay $0x4  }
0x79: {  	v54 =	vshll.u32 v3, $0x2  }
0x7a: {  	v3 =	vand.u32 $0x7, v3;
	v4 =	vand.u32 $0xFFFFFFE0, v54  }
0x7b: {  	v3 =	vor.u32 v3, v4  }
0x7c: {  	v4 =	vperm.xlane v3, v0;
	_ =	sdelay $0x1  }
0x7d: {  	v4 =	vadd.s32 v1, v4;
	_ =	sdelay $0x1  }
0x7e: {  	v3 =	vperm.xlane v3, v2;
	_ =	sdelay $0x1  }
0x7f: {  	v3 =	vadd.s32 v1, v3  }
0x80: {  	[hbm4b:s3+s2] =	stream.indirect_vreg.scatter [tilespmem:s22], [sflag:$0x1], $0x80, v4, vm0, $0xb8;
	[tilespmem:$0x10200] =	vst v63  }
0x81: {  	_ = 	snop  }
0x82: {  	[hbm4b:s4+s2] =	stream.indirect_vreg.scatter [tilespmem:s23], [sflag:$0x1], $0x80, v4, vm0, $0xb8;
	[tilespmem:$0x10200] =	vst v63  }
0x83: {  	_ = 	snop  }
0x84: {  	[hbm4b:s3+s2] =	stream.indirect_vreg.scatter [tilespmem:s24], [sflag:$0x1], $0x80, v3, vm0, $0xb8;
	[tilespmem:$0x10200] =	vst v63  }
0x85: {  	_ = 	snop  }
0x86: {  	[hbm4b:s4+s2] =	stream.indirect_vreg.scatter [tilespmem:s25], [sflag:$0x1], $0x80, v3, vm0, $0xb8;
	[tilespmem:$0x10200] =	vst v63  }
0x87: {  	v3 =	vld [tilespmem:$0x130];
	_ =	sdelay $0x4  }
0x88: {  	v55 =	vshll.u32 v3, $0x2  }
0x89: {  	v3 =	vand.u32 $0x7, v3;
	v4 =	vand.u32 $0xFFFFFFE0, v55  }
0x8a: {  	v3 =	vor.u32 v3, v4  }
0x8b: {  	v4 =	vperm.xlane v3, v0;
	_ =	sdelay $0x1  }
0x8c: {  	v4 =	vadd.s32 v1, v4;
	_ =	sdelay $0x1  }
0x8d: {  	v3 =	vperm.xlane v3, v2;
	_ =	sdelay $0x1  }
0x8e: {  	v3 =	vadd.s32 v1, v3  }
0x8f: {  	[hbm4b:s3+s2] =	stream.indirect_vreg.scatter [tilespmem:s26], [sflag:$0x1], $0x80, v4, vm0, $0xb8;
	[tilespmem:$0x10200] =	vst v63  }
0x90: {  	_ = 	snop  }
0x91: {  	[hbm4b:s4+s2] =	stream.indirect_vreg.scatter [tilespmem:s28], [sflag:$0x1], $0x80, v4, vm0, $0xb8;
	[tilespmem:$0x10200] =	vst v63  }
0x92: {  	_ = 	snop  }
0x93: {  	[hbm4b:s3+s2] =	stream.indirect_vreg.scatter [tilespmem:s29], [sflag:$0x1], $0x80, v3, vm0, $0xb8;
	[tilespmem:$0x10200] =	vst v63  }
0x94: {  	_ = 	snop  }
0x95: {  	[hbm4b:s4+s2] =	stream.indirect_vreg.scatter [tilespmem:s30], [sflag:$0x1], $0x80, v3, vm0, $0xb8;
	[tilespmem:$0x10200] =	vst v63  }
0x96: {  	v3 =	vld [tilespmem:$0x80];
	_ =	sdelay $0x4  }
0x97: {  	v56 =	vshll.u32 v3, $0x2  }
0x98: {  	v3 =	vand.u32 $0x7, v3;
	v4 =	vand.u32 $0xFFFFFFE0, v56  }
0x99: {  	v3 =	vor.u32 v3, v4  }
0x9a: {  	v4 =	vperm.xlane v3, v0;
	_ =	sdelay $0x1  }
0x9b: {  	v4 =	vadd.s32 v1, v4;
	_ =	sdelay $0x1  }
0x9c: {  	v3 =	vperm.xlane v3, v2;
	_ =	sdelay $0x1  }
0x9d: {  	s15 =	simm.s32 $0x8200;
	v3 =	vadd.s32 v1, v3  }
0x9e: {  	[hbm4b:s3+s2] =	stream.indirect_vreg.scatter [tilespmem:s15], [sflag:$0x1], $0x80, v4, vm0, $0xb8;
	[tilespmem:$0x10200] =	vst v63  }
0x9f: {  	s16 =	simm.s32 $0x8A00  }
0xa0: {  	[hbm4b:s4+s2] =	stream.indirect_vreg.scatter [tilespmem:s16], [sflag:$0x1], $0x80, v4, vm0, $0xb8;
	[tilespmem:$0x10200] =	vst v63  }
0xa1: {  	s17 =	simm.s32 $0x9200  }
0xa2: {  	[hbm4b:s3+s2] =	stream.indirect_vreg.scatter [tilespmem:s17], [sflag:$0x1], $0x80, v3, vm0, $0xb8;
	[tilespmem:$0x10200] =	vst v63  }
0xa3: {  	s18 =	simm.s32 $0x9A00  }
0xa4: {  	[hbm4b:s4+s2] =	stream.indirect_vreg.scatter [tilespmem:s18], [sflag:$0x1], $0x80, v3, vm0, $0xb8;
	[tilespmem:$0x10200] =	vst v63  }
0xa5: {  	v3 =	vld [tilespmem:$0x90];
	_ =	sdelay $0x4  }
0xa6: {  	v57 =	vshll.u32 v3, $0x2  }
0xa7: {  	v3 =	vand.u32 $0x7, v3;
	v4 =	vand.u32 $0xFFFFFFE0, v57  }
0xa8: {  	v3 =	vor.u32 v3, v4  }
0xa9: {  	v4 =	vperm.xlane v3, v0;
	_ =	sdelay $0x1  }
0xaa: {  	v4 =	vadd.s32 v1, v4;
	_ =	sdelay $0x1  }
0xab: {  	v3 =	vperm.xlane v3, v2;
	_ =	sdelay $0x1  }
0xac: {  	s19 =	simm.s32 $0xA200;
	v3 =	vadd.s32 v1, v3  }
0xad: {  	[hbm4b:s3+s2] =	stream.indirect_vreg.scatter [tilespmem:s19], [sflag:$0x1], $0x80, v4, vm0, $0xb8;
	[tilespmem:$0x10200] =	vst v63  }
0xae: {  	s20 =	simm.s32 $0xAA00  }
0xaf: {  	[hbm4b:s4+s2] =	stream.indirect_vreg.scatter [tilespmem:s20], [sflag:$0x1], $0x80, v4, vm0, $0xb8;
	[tilespmem:$0x10200] =	vst v63  }
0xb0: {  	s21 =	simm.s32 $0xB200  }
0xb1: {  	[hbm4b:s3+s2] =	stream.indirect_vreg.scatter [tilespmem:s21], [sflag:$0x1], $0x80, v3, vm0, $0xb8;
	[tilespmem:$0x10200] =	vst v63  }
0xb2: {  	_ = 	snop  }
0xb3: {  	[hbm4b:s4+s2] =	stream.indirect_vreg.scatter [tilespmem:s31], [sflag:$0x1], $0x80, v3, vm0, $0xb8;
	[tilespmem:$0x10200] =	vst v63  }
0xb4: {  	v3 =	vld [tilespmem:$0xA0];
	_ =	sdelay $0x4  }
0xb5: {  	v58 =	vshll.u32 v3, $0x2  }
0xb6: {  	v3 =	vand.u32 $0x7, v3;
	v4 =	vand.u32 $0xFFFFFFE0, v58  }
0xb7: {  	v3 =	vor.u32 v3, v4  }
0xb8: {  	v4 =	vperm.xlane v3, v0;
	_ =	sdelay $0x1  }
0xb9: {  	v4 =	vadd.s32 v1, v4;
	_ =	sdelay $0x1  }
0xba: {  	v3 =	vperm.xlane v3, v2;
	_ =	sdelay $0x1  }
0xbb: {  	v3 =	vadd.s32 v1, v3  }
0xbc: {  	[hbm4b:s3+s2] =	stream.indirect_vreg.scatter [tilespmem:s1], [sflag:$0x1], $0x80, v4, vm0, $0xb8;
	[tilespmem:$0x10200] =	vst v63  }
0xbd: {  	_ = 	snop  }
0xbe: {  	[hbm4b:s4+s2] =	stream.indirect_vreg.scatter [tilespmem:s0], [sflag:$0x1], $0x80, v4, vm0, $0xb8;
	[tilespmem:$0x10200] =	vst v63  }
0xbf: {  	_ = 	snop  }
0xc0: {  	[hbm4b:s3+s2] =	stream.indirect_vreg.scatter [tilespmem:s8], [sflag:$0x1], $0x80, v3, vm0, $0xb8;
	[tilespmem:$0x10200] =	vst v63  }
0xc1: {  	_ = 	snop  }
0xc2: {  	[hbm4b:s4+s2] =	stream.indirect_vreg.scatter [tilespmem:s9], [sflag:$0x1], $0x80, v3, vm0, $0xb8;
	[tilespmem:$0x10200] =	vst v63  }
0xc3: {  	v3 =	vld [tilespmem:$0xB0];
	_ =	sdelay $0x4  }
0xc4: {  	v59 =	vshll.u32 v3, $0x2  }
0xc5: {  	v3 =	vand.u32 $0x7, v3;
	v4 =	vand.u32 $0xFFFFFFE0, v59  }
0xc6: {  	v3 =	vor.u32 v3, v4  }
0xc7: {  	v4 =	vperm.xlane v3, v0;
	_ =	sdelay $0x1  }
0xc8: {  	v4 =	vadd.s32 v1, v4;
	_ =	sdelay $0x1  }
0xc9: {  	v3 =	vperm.xlane v3, v2;
	_ =	sdelay $0x1  }
0xca: {  	v3 =	vadd.s32 v1, v3  }
0xcb: {  	[hbm4b:s3+s2] =	stream.indirect_vreg.scatter [tilespmem:s10], [sflag:$0x1], $0x80, v4, vm0, $0xb8;
	[tilespmem:$0x10200] =	vst v63  }
0xcc: {  	_ = 	snop  }
0xcd: {  	[hbm4b:s4+s2] =	stream.indirect_vreg.scatter [tilespmem:s11], [sflag:$0x1], $0x80, v4, vm0, $0xb8;
	[tilespmem:$0x10200] =	vst v63  }
0xce: {  	_ = 	snop  }
0xcf: {  	[hbm4b:s3+s2] =	stream.indirect_vreg.scatter [tilespmem:s12], [sflag:$0x1], $0x80, v3, vm0, $0xb8;
	[tilespmem:$0x10200] =	vst v63  }
0xd0: {  	_ = 	snop  }
0xd1: {  	[hbm4b:s4+s2] =	stream.indirect_vreg.scatter [tilespmem:s13], [sflag:$0x1], $0x80, v3, vm0, $0xb8;
	[tilespmem:$0x10200] =	vst v63  }
0xd2: {  	v3 =	vld [tilespmem:$0x180];
	_ =	sdelay $0x4  }
0xd3: {  	v60 =	vshll.u32 v3, $0x2  }
0xd4: {  	v3 =	vand.u32 $0x7, v3;
	v4 =	vand.u32 $0xFFFFFFE0, v60  }
0xd5: {  	v3 =	vor.u32 v3, v4  }
0xd6: {  	v4 =	vperm.xlane v3, v0;
	_ =	sdelay $0x1  }
0xd7: {  	v4 =	vadd.s32 v1, v4;
	_ =	sdelay $0x1  }
0xd8: {  	v3 =	vperm.xlane v3, v2;
	_ =	sdelay $0x1  }
0xd9: {  	v3 =	vadd.s32 v1, v3  }
0xda: {  	[hbm4b:s3+s2] =	stream.indirect_vreg.scatter [tilespmem:s15], [sflag:$0x1], $0x80, v4, vm0, $0xb8;
	[tilespmem:$0x10200] =	vst v63  }
0xdb: {  	_ = 	snop  }
0xdc: {  	[hbm4b:s4+s2] =	stream.indirect_vreg.scatter [tilespmem:s16], [sflag:$0x1], $0x80, v4, vm0, $0xb8;
	[tilespmem:$0x10200] =	vst v63  }
0xdd: {  	_ = 	snop  }
0xde: {  	[hbm4b:s3+s2] =	stream.indirect_vreg.scatter [tilespmem:s17], [sflag:$0x1], $0x80, v3, vm0, $0xb8;
	[tilespmem:$0x10200] =	vst v63  }
0xdf: {  	_ = 	snop  }
0xe0: {  	[hbm4b:s4+s2] =	stream.indirect_vreg.scatter [tilespmem:s18], [sflag:$0x1], $0x80, v3, vm0, $0xb8;
	[tilespmem:$0x10200] =	vst v63  }
0xe1: {  	v3 =	vld [tilespmem:$0x190];
	_ =	sdelay $0x4  }
0xe2: {  	v61 =	vshll.u32 v3, $0x2  }
0xe3: {  	v3 =	vand.u32 $0x7, v3;
	v4 =	vand.u32 $0xFFFFFFE0, v61  }
0xe4: {  	v3 =	vor.u32 v3, v4  }
0xe5: {  	v4 =	vperm.xlane v3, v0;
	_ =	sdelay $0x1  }
0xe6: {  	v4 =	vadd.s32 v1, v4;
	_ =	sdelay $0x1  }
0xe7: {  	v3 =	vperm.xlane v3, v2;
	_ =	sdelay $0x1  }
0xe8: {  	v3 =	vadd.s32 v1, v3  }
0xe9: {  	[hbm4b:s3+s2] =	stream.indirect_vreg.scatter [tilespmem:s19], [sflag:$0x1], $0x80, v4, vm0, $0xb8;
	[tilespmem:$0x10200] =	vst v63  }
0xea: {  	_ = 	snop  }
0xeb: {  	[hbm4b:s4+s2] =	stream.indirect_vreg.scatter [tilespmem:s20], [sflag:$0x1], $0x80, v4, vm0, $0xb8;
	[tilespmem:$0x10200] =	vst v63  }
0xec: {  	_ = 	snop  }
0xed: {  	[hbm4b:s3+s2] =	stream.indirect_vreg.scatter [tilespmem:s21], [sflag:$0x1], $0x80, v3, vm0, $0xb8;
	[tilespmem:$0x10200] =	vst v63  }
0xee: {  	_ = 	snop  }
0xef: {  	[hbm4b:s4+s2] =	stream.indirect_vreg.scatter [tilespmem:s31], [sflag:$0x1], $0x80, v3, vm0, $0xb8;
	[tilespmem:$0x10200] =	vst v63  }
0xf0: {  	v3 =	vld [tilespmem:$0x1A0];
	_ =	sdelay $0x4  }
0xf1: {  	v62 =	vshll.u32 v3, $0x2  }
0xf2: {  	v3 =	vand.u32 $0x7, v3;
	v4 =	vand.u32 $0xFFFFFFE0, v62  }
0xf3: {  	v3 =	vor.u32 v3, v4  }
0xf4: {  	v4 =	vperm.xlane v3, v0;
	_ =	sdelay $0x1  }
0xf5: {  	v4 =	vadd.s32 v1, v4;
	_ =	sdelay $0x1  }
0xf6: {  	v3 =	vperm.xlane v3, v2;
	_ =	sdelay $0x1  }
0xf7: {  	v3 =	vadd.s32 v1, v3  }
0xf8: {  	[hbm4b:s3+s2] =	stream.indirect_vreg.scatter [tilespmem:s1], [sflag:$0x1], $0x80, v4, vm0, $0xb8;
	[tilespmem:$0x10200] =	vst v63  }
0xf9: {  	_ = 	snop  }
0xfa: {  	[hbm4b:s4+s2] =	stream.indirect_vreg.scatter [tilespmem:s0], [sflag:$0x1], $0x80, v4, vm0, $0xb8;
	[tilespmem:$0x10200] =	vst v63  }
0xfb: {  	_ = 	snop  }
0xfc: {  	[hbm4b:s3+s2] =	stream.indirect_vreg.scatter [tilespmem:s8], [sflag:$0x1], $0x80, v3, vm0, $0xb8;
	[tilespmem:$0x10200] =	vst v63  }
0xfd: {  	_ = 	snop  }
0xfe: {  	[hbm4b:s4+s2] =	stream.indirect_vreg.scatter [tilespmem:s9], [sflag:$0x1], $0x80, v3, vm0, $0xb8;
	[tilespmem:$0x10200] =	vst v63  }
0xff: {  	v3 =	vld [tilespmem:$0x1B0];
	_ =	sdelay $0x4  }
0x100: {  	v63 =	vshll.u32 v3, $0x2  }
0x101: {  	v3 =	vand.u32 $0x7, v3;
	v4 =	vand.u32 $0xFFFFFFE0, v63  }
0x102: {  	v3 =	vor.u32 v3, v4  }
0x103: {  	v4 =	vperm.xlane v3, v0;
	_ =	sdelay $0x1  }
0x104: {  	v4 =	vadd.s32 v1, v4;
	_ =	sdelay $0x1  }
0x105: {  	v3 =	vperm.xlane v3, v2;
	_ =	sdelay $0x1  }
0x106: {  	v3 =	vadd.s32 v1, v3  }
0x107: {  	[hbm4b:s3+s2] =	stream.indirect_vreg.scatter [tilespmem:s10], [sflag:$0x1], $0x80, v4, vm0, $0xb8;
	[tilespmem:$0x10200] =	vst v63  }
0x108: {  	_ = 	snop  }
0x109: {  	[hbm4b:s4+s2] =	stream.indirect_vreg.scatter [tilespmem:s11], [sflag:$0x1], $0x80, v4, vm0, $0xb8;
	[tilespmem:$0x10200] =	vst v63  }
0x10a: {  	_ = 	snop  }
0x10b: {  	[hbm4b:s3+s2] =	stream.indirect_vreg.scatter [tilespmem:s12], [sflag:$0x1], $0x80, v3, vm0, $0xb8;
	[tilespmem:$0x10200] =	vst v63  }
0x10c: {  	_ = 	snop  }
0x10d: {  	[hbm4b:s4+s2] =	stream.indirect_vreg.scatter [tilespmem:s13], [sflag:$0x1], $0x80, v3, vm0, $0xb8;
	[tilespmem:$0x10200] =	vst v63  }
0x10e: {  	_ =	swait.ge [sflag:s14], $0x8000  }
0x10f: {  	[sflag:s14] =	ssyncset.done $0x0  }
0x110: {  	[sflag:s14] =	ssyncadd.s32 $0xFFFF8000  }
0x111: {  	_ =	swait.ge [sflag:s14], $0x8000  }
0x112: {  	[sflag:s14] =	ssyncset.done $0x0  }
0x113: {  	[sflag:s14] =	ssyncadd.s32 $0xFFFF8000  }
0x114: {  	p0 =	sne.s32 s5, $0x1;
	_ =	swait.ge [sflag:s14], $0x8000  }
.Ltmp0:
0x115: {  	[sflag:s14] =	ssyncset.done $0x0;
	(pc) =	sbr.rel @p0 .LBB2_1-.Ltmp0, $4  }
0x116: {  	[sflag:s14] =	ssyncadd.s32 $0xFFFF8000  }
0x117: {  	_ =	swait.ge [sflag:s14], $0x8000  }
0x118: {  	[sflag:s14] =	ssyncset.done $0x0  }
0x119: {  	s5 =	sadd.s32 $0xFFFFFFFF, s5;
	[sflag:s14] =	ssyncadd.s32 $0xFFFF8000  }
0x11a: {  	_ =	sfence.sel $0x180000  }
0x11b: {  	[bflag:$0x0] =	sbarrier.arrive $0xFFFF  }
0x11c: {  	_ =	strace $0x90000047  }
0x11d: {  	s0 =	stileid.u32;
	[bflag:$0x2] =	sbarrier.arrive $0xFFFF  }
0x11e: {  	p0 =	sne.s32 s0, $0x0;
	s0 =	rddreg [dreg:$0x2]  }
0x11f: {  	s0 =	sadd.s32 @!p0 $0x100000, s0  }
0x120: {  	[sflag:s0] =	ssyncadd.tile.s32 @!p0 $0x1;
	_ =	shalt  }
.Lfunc_end2:
_tile_overlayer_lowered:
.L_overlay_start_2:
0x121: {  	(tag) =	ssettag $0x2  }
0x122: {  	s0 =	rddreg [dreg:$0x0];
	s2 =	stileid.u32  }
0x123: {  	s1 =	rddreg [dreg:$0x1];
	p0 =	sne.s32 s2, $0x0  }
0x124: {  	s3 =	rddreg [dreg:$0x2];
	[bflag:$0x3] =	sbarrier.arrive $0xFFFF;
	s2 =	simm.s32 @!p0 $0x1C02  }
0x125: {  	[timem:s3], [sflag:s2] =	dma.local @!p0 [hbm:s0], s1  }
0x126: {  	s0 =	simm.s32 @!p0 $0x2  }
0x127: {  	_ =	swait.ge @!p0 [sflag:s0], s1  }
0x128: {  	s1 =	ssub.s32 @!p0 $0x0, s1;
	[sflag:s0] =	ssyncset.done @!p0 $0x0  }
0x129: {  	[sflag:s0] =	ssyncadd.s32 @!p0 s1  }
0x12a: {  	[bflag:$0x3] =	sbarrier.arrive $0xFFFF  }
0x12b: {  	_ =	shalt  }

</sc_bundles>
